<compile_context>
chip_gen: v7x
topology: tpu7x:2x2x1
jax: 0.10.2.dev20260603
libtpu: 0.0.44.dev20260713+nightly
codegen_flags: <defaults>
</compile_context>

<pallas_src>
import jax
import jax.numpy as jnp
from jax.experimental import pallas as pl
from jax.experimental.pallas import tpu as pltpu

_B, _P, _M, _NS = 16, 2048, 512, 64
_R2 = 0.2 * 0.2
_EPS = 1e-5
_QB = 256
_G = (_B * _M) // _QB
_RB = _QB * _NS
_E = _B * _M * _NS


def _graph(pos):
    pos3 = pos.reshape(_B, _P, 3)
    ar = jnp.arange(_B)

    def body(i, state):
        idx, dists, far = state
        idx = idx.at[:, i].set(far)
        c = pos3[ar, far]
        d = ((pos3 - c[:, None, :]) ** 2).sum(-1)
        dists = jnp.minimum(dists, d)
        far = dists.argmax(-1)
        return idx, dists, far

    idx0 = jnp.zeros((_B, _M), jnp.int32)
    dists0 = jnp.full((_B, _P), jnp.inf, jnp.float32)
    far0 = jnp.zeros((_B,), jnp.int32)
    idx, _, _ = jax.lax.fori_loop(0, _M, body, (idx0, dists0, far0))
    sampled = pos3[ar[:, None], idx]
    d2 = ((sampled[:, :, None, :] - pos3[:, None, :, :]) ** 2).sum(-1)
    within = d2 <= _R2
    order = jnp.argsort(~within, axis=-1, stable=True)
    nb = order[:, :, :_NS]
    cnt = jnp.minimum(within.sum(-1), _NS)
    return idx, nb, cnt


def _tw_kernel(hp_ref, w_ref, out_ref):
    out_ref[...] = jnp.dot(hp_ref[...], w_ref[...],
                           preferred_element_type=jnp.float32)


def _matmul_tw(hp, w):
    rows = hp.shape[0]
    blk = 2048
    return pl.pallas_call(
        _tw_kernel,
        grid=(rows // blk,),
        in_specs=[
            pl.BlockSpec((blk, hp.shape[1]), lambda i: (i, 0)),
            pl.BlockSpec((hp.shape[1], w.shape[1]), lambda i: (0, 0)),
        ],
        out_specs=pl.BlockSpec((blk, w.shape[1]), lambda i: (i, 0)),
        out_shape=jax.ShapeDtypeStruct((rows, w.shape[1]), jnp.float32),
    )(hp, w)


def _stats0_kernel(x0_ref, qw_ref, vf_ref, out_ref):
    x0 = x0_ref[...].reshape(_QB, _NS, 64) - qw_ref[...][:, None, :]
    w = vf_ref[...][:, :, None]
    xw = (x0 * w).reshape(_RB, 64)
    s1 = jnp.sum(xw, axis=0)
    s2 = jnp.sum(xw * x0.reshape(_RB, 64), axis=0)

    @pl.when(pl.program_id(0) == 0)
    def _():
        out_ref[...] = jnp.zeros_like(out_ref)

    out_ref[0:1, :] += s1[None]
    out_ref[1:2, :] += s2[None]


def _stats1_kernel(x0_ref, qw_ref, vf_ref, a0_ref, c0_ref, w1_ref, b1_ref,
                   out_ref):
    x0 = x0_ref[...].reshape(_QB, _NS, 64) - qw_ref[...][:, None, :]
    h0 = jnp.maximum(x0 * a0_ref[...][None] + c0_ref[...][None], 0.0)
    x1 = jnp.dot(h0.reshape(_RB, 64), w1_ref[...],
                 preferred_element_type=jnp.float32) + b1_ref[...]
    w = vf_ref[...][:, :, None]
    xw = (x1.reshape(_QB, _NS, 64) * w).reshape(_RB, 64)
    s1 = jnp.sum(xw, axis=0)
    s2 = jnp.sum(xw * x1, axis=0)

    @pl.when(pl.program_id(0) == 0)
    def _():
        out_ref[...] = jnp.zeros_like(out_ref)

    out_ref[0:1, :] += s1[None]
    out_ref[1:2, :] += s2[None]


def _stats2_kernel(x0_ref, qw_ref, vf_ref, a0_ref, c0_ref, w1_ref, b1_ref,
                   a1_ref, c1_ref, w2_ref, b2_ref, out_ref):
    x0 = x0_ref[...].reshape(_QB, _NS, 64) - qw_ref[...][:, None, :]
    h0 = jnp.maximum(x0 * a0_ref[...][None] + c0_ref[...][None], 0.0)
    x1 = jnp.dot(h0.reshape(_RB, 64), w1_ref[...],
                 preferred_element_type=jnp.float32) + b1_ref[...]
    h1 = jnp.maximum(x1 * a1_ref[...] + c1_ref[...], 0.0)
    x2 = jnp.dot(h1, w2_ref[...],
                 preferred_element_type=jnp.float32) + b2_ref[...]
    w = vf_ref[...][:, :, None]
    xw = (x2.reshape(_QB, _NS, 128) * w).reshape(_RB, 128)
    s1 = jnp.sum(xw, axis=0)
    s2 = jnp.sum(xw * x2, axis=0)

    @pl.when(pl.program_id(0) == 0)
    def _():
        out_ref[...] = jnp.zeros_like(out_ref)

    out_ref[0:1, :] += s1[None]
    out_ref[1:2, :] += s2[None]


def _final_kernel(x0_ref, qw_ref, vf_ref, a0_ref, c0_ref, w1_ref, b1_ref,
                  a1_ref, c1_ref, w2_ref, b2_ref, a2_ref, c2_ref, out_ref):
    x0 = x0_ref[...].reshape(_QB, _NS, 64) - qw_ref[...][:, None, :]
    h0 = jnp.maximum(x0 * a0_ref[...][None] + c0_ref[...][None], 0.0)
    x1 = jnp.dot(h0.reshape(_RB, 64), w1_ref[...],
                 preferred_element_type=jnp.float32) + b1_ref[...]
    h1 = jnp.maximum(x1 * a1_ref[...] + c1_ref[...], 0.0)
    x2 = jnp.dot(h1, w2_ref[...],
                 preferred_element_type=jnp.float32) + b2_ref[...]
    msg = jnp.maximum(x2 * a2_ref[...] + c2_ref[...], 0.0)
    vb = vf_ref[...][:, :, None] > 0.5
    msg = jnp.where(vb, msg.reshape(_QB, _NS, 128), -jnp.inf)
    r = jnp.max(msg, axis=1)
    out_ref[...] = jnp.where(jnp.isfinite(r), r, 0.0)


def _vec(x):
    return x.reshape(1, -1)


def _edge_pass(kern, n_out, extra, out_rows=None):
    def call(x0g, qw, vf):
        in_specs = [
            pl.BlockSpec((_RB, 64), lambda i: (i, 0)),
            pl.BlockSpec((_QB, 64), lambda i: (i, 0)),
            pl.BlockSpec((_QB, _NS), lambda i: (i, 0)),
        ]
        ops = [x0g, qw, vf]
        for e in extra:
            in_specs.append(
                pl.BlockSpec(e.shape, lambda i, r=len(e.shape): (0,) * r))
            ops.append(e)
        if out_rows is None:
            out_spec = pl.BlockSpec((8, n_out), lambda i: (0, 0))
            out_shape = jax.ShapeDtypeStruct((8, n_out), jnp.float32)
        else:
            out_spec = pl.BlockSpec((_QB, n_out), lambda i: (i, 0))
            out_shape = jax.ShapeDtypeStruct((out_rows, n_out), jnp.float32)
        return pl.pallas_call(
            kern,
            grid=(_G,),
            in_specs=in_specs,
            out_specs=out_spec,
            out_shape=out_shape,
        )(*ops)
    return call


def kernel(h, pos, batch, W0, b0, g0, be0, W1, b1, g1, be1, W2, b2, g2, be2):
    idx, nb, cnt = _graph(pos)
    ar = jnp.arange(_B)
    idx_g = (ar[:, None] * _P + idx).reshape(-1)
    src = (ar[:, None, None] * _P + nb).reshape(-1)

    ones = jnp.ones((_B * _P, 1), jnp.float32)
    zeros = jnp.zeros((_B * _P, 4), jnp.float32)
    hp = jnp.concatenate([h, pos, ones, zeros], axis=1)
    w0f = jnp.concatenate(
        [W0, b0[None, :], jnp.zeros((4, 64), jnp.float32)], axis=0)
    tw = _matmul_tw(hp, w0f)

    pos_dst = pos[idx_g]
    pd = jnp.concatenate([pos_dst, jnp.zeros((_B * _M, 5), jnp.float32)], 1)
    w0p = jnp.concatenate([W0[64:67], jnp.zeros((5, 64), jnp.float32)], 0)
    qw = _matmul_tw(pd, w0p)

    x0g = jnp.take(tw, src, axis=0)

    vf = (jnp.arange(_NS)[None, :] < cnt.reshape(-1)[:, None]
          ).astype(jnp.float32)
    n = cnt.sum().astype(jnp.float32)

    s0 = _edge_pass(_stats0_kernel, 64, [])(x0g, qw, vf)
    m0 = s0[0] / n
    v0 = s0[1] / n - m0 * m0
    a0 = _vec(g0 / jnp.sqrt(v0 + _EPS))
    c0 = _vec(be0 - m0 * (g0 / jnp.sqrt(v0 + _EPS)))

    s1 = _edge_pass(_stats1_kernel, 64,
                    [a0, c0, W1, _vec(b1)])(x0g, qw, vf)
    m1 = s1[0] / n
    v1 = s1[1] / n - m1 * m1
    a1 = _vec(g1 / jnp.sqrt(v1 + _EPS))
    c1 = _vec(be1 - m1 * (g1 / jnp.sqrt(v1 + _EPS)))

    s2 = _edge_pass(_stats2_kernel, 128,
                    [a0, c0, W1, _vec(b1), a1, c1, W2, _vec(b2)])(x0g, qw, vf)
    m2 = s2[0] / n
    v2 = s2[1] / n - m2 * m2
    a2 = _vec(g2 / jnp.sqrt(v2 + _EPS))
    c2 = _vec(be2 - m2 * (g2 / jnp.sqrt(v2 + _EPS)))

    out = _edge_pass(_final_kernel, 128,
                     [a0, c0, W1, _vec(b1), a1, c1, W2, _vec(b2), a2, c2],
                     out_rows=_B * _M)(x0g, qw, vf)

    pos_new = pos[idx_g]
    batch_new = batch[idx_g]
    return out, pos_new, batch_new

# --- scband reference (transcript-rebuilt; emitter-appended) ---
"""Pipeline reference for scband-set-abstraction-86517821210640 (READ-ONLY COPY).

The authoritative reference and input builder live on the scoring server;
editing this copy changes nothing except your own understanding.
"""

import jax, jax.numpy as jnp
import numpy as np

B, P, M = 16, 2048, 512
NS = 64
R = 0.2
CIN = 67
DIMS = [64, 64, 128]

def _build_graph(pos):
    pos3 = pos.reshape(B, P, 3)
    ar = jnp.arange(B)
    def body(i, state):
        idx, dists, far = state
        idx = idx.at[:, i].set(far)
        c = pos3[ar, far]
        d = ((pos3 - c[:, None, :]) ** 2).sum(-1)
        dists = jnp.minimum(dists, d)
        far = dists.argmax(-1)
        return idx, dists, far
    idx0 = jnp.zeros((B, M), jnp.int32)
    dists0 = jnp.full((B, P), jnp.inf, jnp.float32)
    far0 = jnp.zeros((B,), jnp.int32)
    idx, dists, far = jax.lax.fori_loop(0, M, body, (idx0, dists0, far0))
    sampled = pos3[ar[:, None], idx]
    d2 = ((sampled[:, :, None, :] - pos3[:, None, :, :]) ** 2).sum(-1)
    within = d2 <= R * R
    order = jnp.argsort(~within, axis=-1, stable=True)
    nb = order[:, :, :NS]
    cnt = jnp.minimum(within.sum(-1), NS)
    valid = jnp.arange(NS)[None, None, :] < cnt[:, :, None]
    src = (ar[:, None, None] * P + nb).reshape(-1)
    dst = jnp.broadcast_to(ar[:, None, None] * M + jnp.arange(M)[None, :, None], (B, M, NS)).reshape(-1)
    idx_g = (ar[:, None] * P + idx).reshape(-1)
    return src, dst, valid.reshape(-1), idx_g

def _mlp(x, params, w, n):
    for (W, b, g, be) in params:
        x = x @ W + b
        m = (x * w).sum(0) / n
        xm = x - m
        v = (xm * xm * w).sum(0) / n
        x = xm / jnp.sqrt(v + 1e-5) * g + be
        x = jax.nn.relu(x)
    return x

def setup_inputs(seed: int = 0):
    key = jax.random.key(seed)
    ks = jax.random.split(key, 20)
    h = jax.random.normal(ks[0], (B * P, 64), jnp.float32)
    pos = jax.random.uniform(ks[1], (B * P, 3), jnp.float32)
    batch = jnp.repeat(jnp.arange(B, dtype=jnp.int64), P)
    inp = {'h': h, 'pos': pos, 'batch': batch}
    d_in = CIN
    for li, d_out in enumerate(DIMS):
        s = 1.0 / np.sqrt(d_in)
        inp['W%d' % li] = jax.random.uniform(ks[2 + 4 * li], (d_in, d_out), jnp.float32, -s, s)
        inp['b%d' % li] = jax.random.uniform(ks[3 + 4 * li], (d_out,), jnp.float32, -s, s)
        inp['g%d' % li] = jnp.ones((d_out,), jnp.float32)
        inp['be%d' % li] = jnp.zeros((d_out,), jnp.float32)
        d_in = d_out
    return inp

def reference(h, pos, batch, W0, b0, g0, be0, W1, b1, g1, be1, W2, b2, g2, be2):
    src, dst, valid, idx_g = _build_graph(pos)
    pos_dst = pos[idx_g]
    msg_in = jnp.concatenate([h[src], pos[src] - pos_dst[dst]], axis=-1)
    params = [(W0, b0, g0, be0), (W1, b1, g1, be1), (W2, b2, g2, be2)]
    w = valid.astype(msg_in.dtype)[:, None]
    n = valid.sum().astype(msg_in.dtype)
    msg = _mlp(msg_in, params, w, n)
    msg = jnp.where(valid[:, None], msg, -jnp.inf)
    out = jax.ops.segment_max(msg, dst, num_segments=B * M)
    out = jnp.where(jnp.isfinite(out), out, 0.0)
    pos_new = pos[idx_g]
    batch_new = batch[idx_g]
    return out, pos_new, batch_new

if __name__ == "__main__":
    import jax
    _d = setup_inputs()
    print(jax.jit(kernel)(*tuple(_d.values())))

</pallas_src>

<mosaic_0001>
module attributes {stable_mosaic.version = 14 : i64} {
  func.func @_tw_kernel(%arg0: i32, %arg1: memref<2048x72xf32, #tpu.memory_space<vmem>>, %arg2: memref<72x64xf32, #tpu.memory_space<vmem>>, %arg3: memref<2048x64xf32, #tpu.memory_space<vmem>>) attributes {dimension_semantics = [#tpu.dimension_semantics<arbitrary>], iteration_bounds = array<i64: 16>, scalar_prefetch = 0 : i64, scratch_operands = 0 : i64, tpu.core_type = #tpu.core_type<tc>, window_params = [{transform_indices = @transform_0, window_bounds = array<i64: 2048, 72>}, {pipeline_mode = #tpu.pipeline_mode<synchronous>, transform_indices = @transform_1, window_bounds = array<i64: 72, 64>}, {transform_indices = @transform_2, window_bounds = array<i64: 2048, 64>}]} {
    %get3A = arith.constant 0 : index
    %get3A_0 = arith.constant 0 : index
    %get3A_1 = vector.load %arg1[%get3A, %get3A_0] : memref<2048x72xf32, #tpu.memory_space<vmem>>, vector<2048x72xf32>
    %get3A_2 = arith.constant 0 : index
    %get3A_3 = arith.constant 0 : index
    %get3A_4 = vector.load %arg2[%get3A_2, %get3A_3] : memref<72x64xf32, #tpu.memory_space<vmem>>, vector<72x64xf32>
    %dot_general3A = arith.constant dense<0.000000e+00> : vector<2048x64xf32>
    %dot_general3A_5 = tpu.matmul %get3A_1, %get3A_4, %dot_general3A {dimension_numbers = #tpu.dot_dimension_numbers<[1], [0], [0], [1], [0, 0, 1, 1], [], []>, transpose_lhs_hint = false} : vector<2048x72xf32>, vector<72x64xf32>, vector<2048x64xf32> -> vector<2048x64xf32>
    %swap3A = arith.constant 0 : index
    %swap3A_6 = arith.constant 0 : index
    %swap3A_7 = vector.load %arg3[%swap3A, %swap3A_6] : memref<2048x64xf32, #tpu.memory_space<vmem>>, vector<2048x64xf32>
    tpu.vector_store %arg3[%swap3A, %swap3A_6], %dot_general3A_5 {strides = array<i32>} : memref<2048x64xf32, #tpu.memory_space<vmem>>, vector<2048x64xf32>,
    return
  }
  func.func @transform_0(%arg0: i32) -> (i32, i32) {
    %c0_i32 = arith.constant 0 : i32
    %c0_i32_0 = arith.constant 0 : i32
    return %arg0, %c0_i32 : i32, i32
  }
  func.func @transform_1(%arg0: i32) -> (i32, i32) {
    %c0_i32 = arith.constant 0 : i32
    %c0_i32_0 = arith.constant 0 : i32
    %c0_i32_1 = arith.constant 0 : i32
    return %c0_i32, %c0_i32_0 : i32, i32
  }
  func.func @transform_2(%arg0: i32) -> (i32, i32) {
    %c0_i32 = arith.constant 0 : i32
    %c0_i32_0 = arith.constant 0 : i32
    return %arg0, %c0_i32 : i32, i32
  }
}

module attributes {stable_mosaic.version = 14 : i64} {
  func.func @_tw_kernel(%arg0: i32, %arg1: memref<2048x8xf32, #tpu.memory_space<vmem>>, %arg2: memref<8x64xf32, #tpu.memory_space<vmem>>, %arg3: memref<2048x64xf32, #tpu.memory_space<vmem>>) attributes {dimension_semantics = [#tpu.dimension_semantics<arbitrary>], iteration_bounds = array<i64: 4>, scalar_prefetch = 0 : i64, scratch_operands = 0 : i64, tpu.core_type = #tpu.core_type<tc>, window_params = [{transform_indices = @transform_0, window_bounds = array<i64: 2048, 8>}, {pipeline_mode = #tpu.pipeline_mode<synchronous>, transform_indices = @transform_1, window_bounds = array<i64: 8, 64>}, {transform_indices = @transform_2, window_bounds = array<i64: 2048, 64>}]} {
    %get3A = arith.constant 0 : index
    %get3A_0 = arith.constant 0 : index
    %get3A_1 = vector.load %arg1[%get3A, %get3A_0] : memref<2048x8xf32, #tpu.memory_space<vmem>>, vector<2048x8xf32>
    %get3A_2 = arith.constant 0 : index
    %get3A_3 = arith.constant 0 : index
    %get3A_4 = vector.load %arg2[%get3A_2, %get3A_3] : memref<8x64xf32, #tpu.memory_space<vmem>>, vector<8x64xf32>
    %dot_general3A = arith.constant dense<0.000000e+00> : vector<2048x64xf32>
    %dot_general3A_5 = tpu.matmul %get3A_1, %get3A_4, %dot_general3A {dimension_numbers = #tpu.dot_dimension_numbers<[1], [0], [0], [1], [0, 0, 1, 1], [], []>, transpose_lhs_hint = false} : vector<2048x8xf32>, vector<8x64xf32>, vector<2048x64xf32> -> vector<2048x64xf32>
    %swap3A = arith.constant 0 : index
    %swap3A_6 = arith.constant 0 : index
    %swap3A_7 = vector.load %arg3[%swap3A, %swap3A_6] : memref<2048x64xf32, #tpu.memory_space<vmem>>, vector<2048x64xf32>
    tpu.vector_store %arg3[%swap3A, %swap3A_6], %dot_general3A_5 {strides = array<i32>} : memref<2048x64xf32, #tpu.memory_space<vmem>>, vector<2048x64xf32>,
    return
  }
  func.func @transform_0(%arg0: i32) -> (i32, i32) {
    %c0_i32 = arith.constant 0 : i32
    %c0_i32_0 = arith.constant 0 : i32
    return %arg0, %c0_i32 : i32, i32
  }
  func.func @transform_1(%arg0: i32) -> (i32, i32) {
    %c0_i32 = arith.constant 0 : i32
    %c0_i32_0 = arith.constant 0 : i32
    %c0_i32_1 = arith.constant 0 : i32
    return %c0_i32, %c0_i32_0 : i32, i32
  }
  func.func @transform_2(%arg0: i32) -> (i32, i32) {
    %c0_i32 = arith.constant 0 : i32
    %c0_i32_0 = arith.constant 0 : i32
    return %arg0, %c0_i32 : i32, i32
  }
}

module attributes {stable_mosaic.version = 14 : i64} {
  func.func @_stats0_kernel(%arg0: i32, %arg1: memref<16384x64xf32, #tpu.memory_space<vmem>>, %arg2: memref<256x64xf32, #tpu.memory_space<vmem>>, %arg3: memref<256x64xf32, #tpu.memory_space<vmem>>, %arg4: memref<8x64xf32, #tpu.memory_space<vmem>>) attributes {dimension_semantics = [#tpu.dimension_semantics<arbitrary>], iteration_bounds = array<i64: 32>, scalar_prefetch = 0 : i64, scratch_operands = 0 : i64, tpu.core_type = #tpu.core_type<tc>, window_params = [{transform_indices = @transform_0, window_bounds = array<i64: 16384, 64>}, {transform_indices = @transform_1, window_bounds = array<i64: 256, 64>}, {transform_indices = @transform_2, window_bounds = array<i64: 256, 64>}, {pipeline_mode = #tpu.pipeline_mode<synchronous>, transform_indices = @transform_3, window_bounds = array<i64: 8, 64>}]} {
    %get3A = arith.constant 0 : index
    %get3A_0 = arith.constant 0 : index
    %get3A_1 = vector.load %arg1[%get3A, %get3A_0] : memref<16384x64xf32, #tpu.memory_space<vmem>>, vector<16384x64xf32>
    %reshape3A = vector.shape_cast %get3A_1 : vector<16384x64xf32> to vector<256x64x64xf32>
    %get3A_2 = arith.constant 0 : index
    %get3A_3 = arith.constant 0 : index
    %get3A_4 = vector.load %arg2[%get3A_2, %get3A_3] : memref<256x64xf32, #tpu.memory_space<vmem>>, vector<256x64xf32>
    %broadcast_in_dim3A = vector.shape_cast %get3A_4 : vector<256x64xf32> to vector<256x1x64xf32>
    %sub3A = vector.broadcast %broadcast_in_dim3A : vector<256x1x64xf32> to vector<256x64x64xf32>
    %sub3A_5 = arith.subf %reshape3A, %sub3A : vector<256x64x64xf32>
    %get3A_6 = arith.constant 0 : index
    %get3A_7 = arith.constant 0 : index
    %get3A_8 = vector.load %arg3[%get3A_6, %get3A_7] : memref<256x64xf32, #tpu.memory_space<vmem>>, vector<256x64xf32>
    %broadcast_in_dim3A_9 = vector.shape_cast %get3A_8 : vector<256x64xf32> to vector<256x64x1xf32>
    %mul3A = vector.broadcast %broadcast_in_dim3A_9 : vector<256x64x1xf32> to vector<256x64x64xf32>
    %mul3A_10 = arith.mulf %sub3A_5, %mul3A : vector<256x64x64xf32>
    %reshape3A_11 = vector.shape_cast %mul3A_10 : vector<256x64x64xf32> to vector<16384x64xf32>
    %reduce_sum3A = arith.constant dense<0.000000e+00> : vector<64xf32>
    %reduce_sum3A_12 = vector.multi_reduction <add>, %reshape3A_11, %reduce_sum3A [0] : vector<16384x64xf32> to vector<64xf32>
    %reshape3A_13 = vector.shape_cast %sub3A_5 : vector<256x64x64xf32> to vector<16384x64xf32>
    %mul3A_14 = arith.mulf %reshape3A_11, %reshape3A_13 : vector<16384x64xf32>
    %reduce_sum3A_15 = arith.constant dense<0.000000e+00> : vector<64xf32>
    %reduce_sum3A_16 = vector.multi_reduction <add>, %mul3A_14, %reduce_sum3A_15 [0] : vector<16384x64xf32> to vector<64xf32>
    %eq3A = arith.constant 0 : i32
    %eq3A_17 = arith.cmpi eq, %arg0, %eq3A : i32
    %convert_element_type3A = arith.extui %eq3A_17 : i1 to i32
    %cond3A = arith.constant 0 : i32
    %cond3A_18 = arith.cmpi ne, %convert_element_type3A, %cond3A : i32
    scf.if %cond3A_18 {
      %broadcast_in_dim3A_33 = arith.constant 0.000000e+00 : f32
      %broadcast_in_dim3A_34 = vector.broadcast %broadcast_in_dim3A_33 : f32 to vector<8x64xf32>
      %swap3A_35 = arith.constant 0 : index
      %swap3A_36 = arith.constant 0 : index
      %swap3A_37 = vector.load %arg4[%swap3A_35, %swap3A_36] : memref<8x64xf32, #tpu.memory_space<vmem>>, vector<8x64xf32>
      tpu.vector_store %arg4[%swap3A_35, %swap3A_36], %broadcast_in_dim3A_34 {strides = array<i32>} : memref<8x64xf32, #tpu.memory_space<vmem>>, vector<8x64xf32>,
    } else {
    }
    %get3A_19 = arith.constant 0 : index
    %get3A_20 = arith.constant 0 : index
    %get3A_21 = vector.load %arg4[%get3A_19, %get3A_20] : memref<8x64xf32, #tpu.memory_space<vmem>>, vector<1x64xf32>
    %broadcast_in_dim3A_22 = vector.shape_cast %reduce_sum3A_12 : vector<64xf32> to vector<1x64xf32>
    %add3A = arith.addf %get3A_21, %broadcast_in_dim3A_22 : vector<1x64xf32>
    %swap3A = arith.constant 0 : index
    %swap3A_23 = arith.constant 0 : index
    %swap3A_24 = vector.load %arg4[%swap3A, %swap3A_23] : memref<8x64xf32, #tpu.memory_space<vmem>>, vector<1x64xf32>
    tpu.vector_store %arg4[%swap3A, %swap3A_23], %add3A {strides = array<i32>} : memref<8x64xf32, #tpu.memory_space<vmem>>, vector<1x64xf32>,
    %get3A_25 = arith.constant 1 : index
    %get3A_26 = arith.constant 0 : index
    %get3A_27 = vector.load %arg4[%get3A_25, %get3A_26] : memref<8x64xf32, #tpu.memory_space<vmem>>, vector<1x64xf32>
    %broadcast_in_dim3A_28 = vector.shape_cast %reduce_sum3A_16 : vector<64xf32> to vector<1x64xf32>
    %add3A_29 = arith.addf %get3A_27, %broadcast_in_dim3A_28 : vector<1x64xf32>
    %swap3A_30 = arith.constant 1 : index
    %swap3A_31 = arith.constant 0 : index
    %swap3A_32 = vector.load %arg4[%swap3A_30, %swap3A_31] : memref<8x64xf32, #tpu.memory_space<vmem>>, vector<1x64xf32>
    tpu.vector_store %arg4[%swap3A_30, %swap3A_31], %add3A_29 {strides = array<i32>} : memref<8x64xf32, #tpu.memory_space<vmem>>, vector<1x64xf32>,
    return
  }
  func.func @transform_0(%arg0: i32) -> (i32, i32) {
    %c0_i32 = arith.constant 0 : i32
    %c0_i32_0 = arith.constant 0 : i32
    return %arg0, %c0_i32 : i32, i32
  }
  func.func @transform_1(%arg0: i32) -> (i32, i32) {
    %c0_i32 = arith.constant 0 : i32
    %c0_i32_0 = arith.constant 0 : i32
    return %arg0, %c0_i32 : i32, i32
  }
  func.func @transform_2(%arg0: i32) -> (i32, i32) {
    %c0_i32 = arith.constant 0 : i32
    %c0_i32_0 = arith.constant 0 : i32
    return %arg0, %c0_i32 : i32, i32
  }
  func.func @transform_3(%arg0: i32) -> (i32, i32) {
    %c0_i32 = arith.constant 0 : i32
    %c0_i32_0 = arith.constant 0 : i32
    %c0_i32_1 = arith.constant 0 : i32
    return %c0_i32, %c0_i32_0 : i32, i32
  }
}

module attributes {stable_mosaic.version = 14 : i64} {
  func.func @_stats1_kernel(%arg0: i32, %arg1: memref<16384x64xf32, #tpu.memory_space<vmem>>, %arg2: memref<256x64xf32, #tpu.memory_space<vmem>>, %arg3: memref<256x64xf32, #tpu.memory_space<vmem>>, %arg4: memref<1x64xf32, #tpu.memory_space<vmem>>, %arg5: memref<1x64xf32, #tpu.memory_space<vmem>>, %arg6: memref<64x64xf32, #tpu.memory_space<vmem>>, %arg7: memref<1x64xf32, #tpu.memory_space<vmem>>, %arg8: memref<8x64xf32, #tpu.memory_space<vmem>>) attributes {dimension_semantics = [#tpu.dimension_semantics<arbitrary>], iteration_bounds = array<i64: 32>, scalar_prefetch = 0 : i64, scratch_operands = 0 : i64, tpu.core_type = #tpu.core_type<tc>, window_params = [{transform_indices = @transform_0, window_bounds = array<i64: 16384, 64>}, {transform_indices = @transform_1, window_bounds = array<i64: 256, 64>}, {transform_indices = @transform_2, window_bounds = array<i64: 256, 64>}, {pipeline_mode = #tpu.pipeline_mode<synchronous>, transform_indices = @transform_3, window_bounds = array<i64: 1, 64>}, {pipeline_mode = #tpu.pipeline_mode<synchronous>, transform_indices = @transform_4, window_bounds = array<i64: 1, 64>}, {pipeline_mode = #tpu.pipeline_mode<synchronous>, transform_indices = @transform_5, window_bounds = array<i64: 64, 64>}, {pipeline_mode = #tpu.pipeline_mode<synchronous>, transform_indices = @transform_6, window_bounds = array<i64: 1, 64>}, {pipeline_mode = #tpu.pipeline_mode<synchronous>, transform_indices = @transform_7, window_bounds = array<i64: 8, 64>}]} {
    %get3A = arith.constant 0 : index
    %get3A_0 = arith.constant 0 : index
    %get3A_1 = vector.load %arg1[%get3A, %get3A_0] : memref<16384x64xf32, #tpu.memory_space<vmem>>, vector<16384x64xf32>
    %reshape3A = vector.shape_cast %get3A_1 : vector<16384x64xf32> to vector<256x64x64xf32>
    %get3A_2 = arith.constant 0 : index
    %get3A_3 = arith.constant 0 : index
    %get3A_4 = vector.load %arg2[%get3A_2, %get3A_3] : memref<256x64xf32, #tpu.memory_space<vmem>>, vector<256x64xf32>
    %broadcast_in_dim3A = vector.shape_cast %get3A_4 : vector<256x64xf32> to vector<256x1x64xf32>
    %sub3A = vector.broadcast %broadcast_in_dim3A : vector<256x1x64xf32> to vector<256x64x64xf32>
    %sub3A_5 = arith.subf %reshape3A, %sub3A : vector<256x64x64xf32>
    %get3A_6 = arith.constant 0 : index
    %get3A_7 = arith.constant 0 : index
    %get3A_8 = vector.load %arg4[%get3A_6, %get3A_7] : memref<1x64xf32, #tpu.memory_space<vmem>>, vector<1x64xf32>
    %broadcast_in_dim3A_9 = vector.shape_cast %get3A_8 : vector<1x64xf32> to vector<1x1x64xf32>
    %mul3A = vector.broadcast %broadcast_in_dim3A_9 : vector<1x1x64xf32> to vector<256x64x64xf32>
    %mul3A_10 = arith.mulf %sub3A_5, %mul3A : vector<256x64x64xf32>
    %get3A_11 = arith.constant 0 : index
    %get3A_12 = arith.constant 0 : index
    %get3A_13 = vector.load %arg5[%get3A_11, %get3A_12] : memref<1x64xf32, #tpu.memory_space<vmem>>, vector<1x64xf32>
    %broadcast_in_dim3A_14 = vector.shape_cast %get3A_13 : vector<1x64xf32> to vector<1x1x64xf32>
    %add3A = vector.broadcast %broadcast_in_dim3A_14 : vector<1x1x64xf32> to vector<256x64x64xf32>
    %add3A_15 = arith.addf %mul3A_10, %add3A : vector<256x64x64xf32>
    %max3A = arith.constant 0.000000e+00 : f32
    %max3A_16 = vector.broadcast %max3A : f32 to vector<256x64x64xf32>
    %max3A_17 = arith.maximumf %add3A_15, %max3A_16 : vector<256x64x64xf32>
    %reshape3A_18 = vector.shape_cast %max3A_17 : vector<256x64x64xf32> to vector<16384x64xf32>
    %get3A_19 = arith.constant 0 : index
    %get3A_20 = arith.constant 0 : index
    %get3A_21 = vector.load %arg6[%get3A_19, %get3A_20] : memref<64x64xf32, #tpu.memory_space<vmem>>, vector<64x64xf32>
    %dot_general3A = arith.constant dense<0.000000e+00> : vector<16384x64xf32>
    %dot_general3A_22 = tpu.matmul %reshape3A_18, %get3A_21, %dot_general3A {dimension_numbers = #tpu.dot_dimension_numbers<[1], [0], [0], [1], [0, 0, 1, 1], [], []>, transpose_lhs_hint = false} : vector<16384x64xf32>, vector<64x64xf32>, vector<16384x64xf32> -> vector<16384x64xf32>
    %get3A_23 = arith.constant 0 : index
    %get3A_24 = arith.constant 0 : index
    %get3A_25 = vector.load %arg7[%get3A_23, %get3A_24] : memref<1x64xf32, #tpu.memory_space<vmem>>, vector<1x64xf32>
    %add3A_26 = vector.broadcast %get3A_25 : vector<1x64xf32> to vector<16384x64xf32>
    %add3A_27 = arith.addf %dot_general3A_22, %add3A_26 : vector<16384x64xf32>
    %get3A_28 = arith.constant 0 : index
    %get3A_29 = arith.constant 0 : index
    %get3A_30 = vector.load %arg3[%get3A_28, %get3A_29] : memref<256x64xf32, #tpu.memory_space<vmem>>, vector<256x64xf32>
    %broadcast_in_dim3A_31 = vector.shape_cast %get3A_30 : vector<256x64xf32> to vector<256x64x1xf32>
    %reshape3A_32 = vector.shape_cast %add3A_27 : vector<16384x64xf32> to vector<256x64x64xf32>
    %mul3A_33 = vector.broadcast %broadcast_in_dim3A_31 : vector<256x64x1xf32> to vector<256x64x64xf32>
    %mul3A_34 = arith.mulf %reshape3A_32, %mul3A_33 : vector<256x64x64xf32>
    %reshape3A_35 = vector.shape_cast %mul3A_34 : vector<256x64x64xf32> to vector<16384x64xf32>
    %reduce_sum3A = arith.constant dense<0.000000e+00> : vector<64xf32>
    %reduce_sum3A_36 = vector.multi_reduction <add>, %reshape3A_35, %reduce_sum3A [0] : vector<16384x64xf32> to vector<64xf32>
    %mul3A_37 = arith.mulf %reshape3A_35, %add3A_27 : vector<16384x64xf32>
    %reduce_sum3A_38 = arith.constant dense<0.000000e+00> : vector<64xf32>
    %reduce_sum3A_39 = vector.multi_reduction <add>, %mul3A_37, %reduce_sum3A_38 [0] : vector<16384x64xf32> to vector<64xf32>
    %eq3A = arith.constant 0 : i32
    %eq3A_40 = arith.cmpi eq, %arg0, %eq3A : i32
    %convert_element_type3A = arith.extui %eq3A_40 : i1 to i32
    %cond3A = arith.constant 0 : i32
    %cond3A_41 = arith.cmpi ne, %convert_element_type3A, %cond3A : i32
    scf.if %cond3A_41 {
      %broadcast_in_dim3A_57 = arith.constant 0.000000e+00 : f32
      %broadcast_in_dim3A_58 = vector.broadcast %broadcast_in_dim3A_57 : f32 to vector<8x64xf32>
      %swap3A_59 = arith.constant 0 : index
      %swap3A_60 = arith.constant 0 : index
      %swap3A_61 = vector.load %arg8[%swap3A_59, %swap3A_60] : memref<8x64xf32, #tpu.memory_space<vmem>>, vector<8x64xf32>
      tpu.vector_store %arg8[%swap3A_59, %swap3A_60], %broadcast_in_dim3A_58 {strides = array<i32>} : memref<8x64xf32, #tpu.memory_space<vmem>>, vector<8x64xf32>,
    } else {
    }
    %get3A_42 = arith.constant 0 : index
    %get3A_43 = arith.constant 0 : index
    %get3A_44 = vector.load %arg8[%get3A_42, %get3A_43] : memref<8x64xf32, #tpu.memory_space<vmem>>, vector<1x64xf32>
    %broadcast_in_dim3A_45 = vector.shape_cast %reduce_sum3A_36 : vector<64xf32> to vector<1x64xf32>
    %add3A_46 = arith.addf %get3A_44, %broadcast_in_dim3A_45 : vector<1x64xf32>
    %swap3A = arith.constant 0 : index
    %swap3A_47 = arith.constant 0 : index
    %swap3A_48 = vector.load %arg8[%swap3A, %swap3A_47] : memref<8x64xf32, #tpu.memory_space<vmem>>, vector<1x64xf32>
    tpu.vector_store %arg8[%swap3A, %swap3A_47], %add3A_46 {strides = array<i32>} : memref<8x64xf32, #tpu.memory_space<vmem>>, vector<1x64xf32>,
    %get3A_49 = arith.constant 1 : index
    %get3A_50 = arith.constant 0 : index
    %get3A_51 = vector.load %arg8[%get3A_49, %get3A_50] : memref<8x64xf32, #tpu.memory_space<vmem>>, vector<1x64xf32>
    %broadcast_in_dim3A_52 = vector.shape_cast %reduce_sum3A_39 : vector<64xf32> to vector<1x64xf32>
    %add3A_53 = arith.addf %get3A_51, %broadcast_in_dim3A_52 : vector<1x64xf32>
    %swap3A_54 = arith.constant 1 : index
    %swap3A_55 = arith.constant 0 : index
    %swap3A_56 = vector.load %arg8[%swap3A_54, %swap3A_55] : memref<8x64xf32, #tpu.memory_space<vmem>>, vector<1x64xf32>
    tpu.vector_store %arg8[%swap3A_54, %swap3A_55], %add3A_53 {strides = array<i32>} : memref<8x64xf32, #tpu.memory_space<vmem>>, vector<1x64xf32>,
    return
  }
  func.func @transform_0(%arg0: i32) -> (i32, i32) {
    %c0_i32 = arith.constant 0 : i32
    %c0_i32_0 = arith.constant 0 : i32
    return %arg0, %c0_i32 : i32, i32
  }
  func.func @transform_1(%arg0: i32) -> (i32, i32) {
    %c0_i32 = arith.constant 0 : i32
    %c0_i32_0 = arith.constant 0 : i32
    return %arg0, %c0_i32 : i32, i32
  }
  func.func @transform_2(%arg0: i32) -> (i32, i32) {
    %c0_i32 = arith.constant 0 : i32
    %c0_i32_0 = arith.constant 0 : i32
    return %arg0, %c0_i32 : i32, i32
  }
  func.func @transform_3(%arg0: i32) -> (i32, i32) {
    %c0_i32 = arith.constant 0 : i32
    %c0_i32_0 = arith.constant 0 : i32
    %c0_i32_1 = arith.constant 0 : i32
    return %c0_i32, %c0_i32_0 : i32, i32
  }
  func.func @transform_4(%arg0: i32) -> (i32, i32) {
    %c0_i32 = arith.constant 0 : i32
    %c0_i32_0 = arith.constant 0 : i32
    %c0_i32_1 = arith.constant 0 : i32
    return %c0_i32, %c0_i32_0 : i32, i32
  }
  func.func @transform_5(%arg0: i32) -> (i32, i32) {
    %c0_i32 = arith.constant 0 : i32
    %c0_i32_0 = arith.constant 0 : i32
    %c0_i32_1 = arith.constant 0 : i32
    return %c0_i32, %c0_i32_0 : i32, i32
  }
  func.func @transform_6(%arg0: i32) -> (i32, i32) {
    %c0_i32 = arith.constant 0 : i32
    %c0_i32_0 = arith.constant 0 : i32
    %c0_i32_1 = arith.constant 0 : i32
    return %c0_i32, %c0_i32_0 : i32, i32
  }
  func.func @transform_7(%arg0: i32) -> (i32, i32) {
    %c0_i32 = arith.constant 0 : i32
    %c0_i32_0 = arith.constant 0 : i32
    %c0_i32_1 = arith.constant 0 : i32
    return %c0_i32, %c0_i32_0 : i32, i32
  }
}

module attributes {stable_mosaic.version = 14 : i64} {
  func.func @_stats2_kernel(%arg0: i32, %arg1: memref<16384x64xf32, #tpu.memory_space<vmem>>, %arg2: memref<256x64xf32, #tpu.memory_space<vmem>>, %arg3: memref<256x64xf32, #tpu.memory_space<vmem>>, %arg4: memref<1x64xf32, #tpu.memory_space<vmem>>, %arg5: memref<1x64xf32, #tpu.memory_space<vmem>>, %arg6: memref<64x64xf32, #tpu.memory_space<vmem>>, %arg7: memref<1x64xf32, #tpu.memory_space<vmem>>, %arg8: memref<1x64xf32, #tpu.memory_space<vmem>>, %arg9: memref<1x64xf32, #tpu.memory_space<vmem>>, %arg10: memref<64x128xf32, #tpu.memory_space<vmem>>, %arg11: memref<1x128xf32, #tpu.memory_space<vmem>>, %arg12: memref<8x128xf32, #tpu.memory_space<vmem>>) attributes {dimension_semantics = [#tpu.dimension_semantics<arbitrary>], iteration_bounds = array<i64: 32>, scalar_prefetch = 0 : i64, scratch_operands = 0 : i64, tpu.core_type = #tpu.core_type<tc>, window_params = [{transform_indices = @transform_0, window_bounds = array<i64: 16384, 64>}, {transform_indices = @transform_1, window_bounds = array<i64: 256, 64>}, {transform_indices = @transform_2, window_bounds = array<i64: 256, 64>}, {pipeline_mode = #tpu.pipeline_mode<synchronous>, transform_indices = @transform_3, window_bounds = array<i64: 1, 64>}, {pipeline_mode = #tpu.pipeline_mode<synchronous>, transform_indices = @transform_4, window_bounds = array<i64: 1, 64>}, {pipeline_mode = #tpu.pipeline_mode<synchronous>, transform_indices = @transform_5, window_bounds = array<i64: 64, 64>}, {pipeline_mode = #tpu.pipeline_mode<synchronous>, transform_indices = @transform_6, window_bounds = array<i64: 1, 64>}, {pipeline_mode = #tpu.pipeline_mode<synchronous>, transform_indices = @transform_7, window_bounds = array<i64: 1, 64>}, {pipeline_mode = #tpu.pipeline_mode<synchronous>, transform_indices = @transform_8, window_bounds = array<i64: 1, 64>}, {pipeline_mode = #tpu.pipeline_mode<synchronous>, transform_indices = @transform_9, window_bounds = array<i64: 64, 128>}, {pipeline_mode = #tpu.pipeline_mode<synchronous>, transform_indices = @transform_10, window_bounds = array<i64: 1, 128>}, {pipeline_mode = #tpu.pipeline_mode<synchronous>, transform_indices = @transform_11, window_bounds = array<i64: 8, 128>}]} {
    %get3A = arith.constant 0 : index
    %get3A_0 = arith.constant 0 : index
    %get3A_1 = vector.load %arg1[%get3A, %get3A_0] : memref<16384x64xf32, #tpu.memory_space<vmem>>, vector<16384x64xf32>
    %reshape3A = vector.shape_cast %get3A_1 : vector<16384x64xf32> to vector<256x64x64xf32>
    %get3A_2 = arith.constant 0 : index
    %get3A_3 = arith.constant 0 : index
    %get3A_4 = vector.load %arg2[%get3A_2, %get3A_3] : memref<256x64xf32, #tpu.memory_space<vmem>>, vector<256x64xf32>
    %broadcast_in_dim3A = vector.shape_cast %get3A_4 : vector<256x64xf32> to vector<256x1x64xf32>
    %sub3A = vector.broadcast %broadcast_in_dim3A : vector<256x1x64xf32> to vector<256x64x64xf32>
    %sub3A_5 = arith.subf %reshape3A, %sub3A : vector<256x64x64xf32>
    %get3A_6 = arith.constant 0 : index
    %get3A_7 = arith.constant 0 : index
    %get3A_8 = vector.load %arg4[%get3A_6, %get3A_7] : memref<1x64xf32, #tpu.memory_space<vmem>>, vector<1x64xf32>
    %broadcast_in_dim3A_9 = vector.shape_cast %get3A_8 : vector<1x64xf32> to vector<1x1x64xf32>
    %mul3A = vector.broadcast %broadcast_in_dim3A_9 : vector<1x1x64xf32> to vector<256x64x64xf32>
    %mul3A_10 = arith.mulf %sub3A_5, %mul3A : vector<256x64x64xf32>
    %get3A_11 = arith.constant 0 : index
    %get3A_12 = arith.constant 0 : index
    %get3A_13 = vector.load %arg5[%get3A_11, %get3A_12] : memref<1x64xf32, #tpu.memory_space<vmem>>, vector<1x64xf32>
    %broadcast_in_dim3A_14 = vector.shape_cast %get3A_13 : vector<1x64xf32> to vector<1x1x64xf32>
    %add3A = vector.broadcast %broadcast_in_dim3A_14 : vector<1x1x64xf32> to vector<256x64x64xf32>
    %add3A_15 = arith.addf %mul3A_10, %add3A : vector<256x64x64xf32>
    %max3A = arith.constant 0.000000e+00 : f32
    %max3A_16 = vector.broadcast %max3A : f32 to vector<256x64x64xf32>
    %max3A_17 = arith.maximumf %add3A_15, %max3A_16 : vector<256x64x64xf32>
    %reshape3A_18 = vector.shape_cast %max3A_17 : vector<256x64x64xf32> to vector<16384x64xf32>
    %get3A_19 = arith.constant 0 : index
    %get3A_20 = arith.constant 0 : index
    %get3A_21 = vector.load %arg6[%get3A_19, %get3A_20] : memref<64x64xf32, #tpu.memory_space<vmem>>, vector<64x64xf32>
    %dot_general3A = arith.constant dense<0.000000e+00> : vector<16384x64xf32>
    %dot_general3A_22 = tpu.matmul %reshape3A_18, %get3A_21, %dot_general3A {dimension_numbers = #tpu.dot_dimension_numbers<[1], [0], [0], [1], [0, 0, 1, 1], [], []>, transpose_lhs_hint = false} : vector<16384x64xf32>, vector<64x64xf32>, vector<16384x64xf32> -> vector<16384x64xf32>
    %get3A_23 = arith.constant 0 : index
    %get3A_24 = arith.constant 0 : index
    %get3A_25 = vector.load %arg7[%get3A_23, %get3A_24] : memref<1x64xf32, #tpu.memory_space<vmem>>, vector<1x64xf32>
    %add3A_26 = vector.broadcast %get3A_25 : vector<1x64xf32> to vector<16384x64xf32>
    %add3A_27 = arith.addf %dot_general3A_22, %add3A_26 : vector<16384x64xf32>
    %get3A_28 = arith.constant 0 : index
    %get3A_29 = arith.constant 0 : index
    %get3A_30 = vector.load %arg8[%get3A_28, %get3A_29] : memref<1x64xf32, #tpu.memory_space<vmem>>, vector<1x64xf32>
    %mul3A_31 = vector.broadcast %get3A_30 : vector<1x64xf32> to vector<16384x64xf32>
    %mul3A_32 = arith.mulf %add3A_27, %mul3A_31 : vector<16384x64xf32>
    %get3A_33 = arith.constant 0 : index
    %get3A_34 = arith.constant 0 : index
    %get3A_35 = vector.load %arg9[%get3A_33, %get3A_34] : memref<1x64xf32, #tpu.memory_space<vmem>>, vector<1x64xf32>
    %add3A_36 = vector.broadcast %get3A_35 : vector<1x64xf32> to vector<16384x64xf32>
    %add3A_37 = arith.addf %mul3A_32, %add3A_36 : vector<16384x64xf32>
    %max3A_38 = arith.constant 0.000000e+00 : f32
    %max3A_39 = vector.broadcast %max3A_38 : f32 to vector<16384x64xf32>
    %max3A_40 = arith.maximumf %add3A_37, %max3A_39 : vector<16384x64xf32>
    %get3A_41 = arith.constant 0 : index
    %get3A_42 = arith.constant 0 : index
    %get3A_43 = vector.load %arg10[%get3A_41, %get3A_42] : memref<64x128xf32, #tpu.memory_space<vmem>>, vector<64x128xf32>
    %dot_general3A_44 = arith.constant dense<0.000000e+00> : vector<16384x128xf32>
    %dot_general3A_45 = tpu.matmul %max3A_40, %get3A_43, %dot_general3A_44 {dimension_numbers = #tpu.dot_dimension_numbers<[1], [0], [0], [1], [0, 0, 1, 1], [], []>, transpose_lhs_hint = false} : vector<16384x64xf32>, vector<64x128xf32>, vector<16384x128xf32> -> vector<16384x128xf32>
    %get3A_46 = arith.constant 0 : index
    %get3A_47 = arith.constant 0 : index
    %get3A_48 = vector.load %arg11[%get3A_46, %get3A_47] : memref<1x128xf32, #tpu.memory_space<vmem>>, vector<1x128xf32>
    %add3A_49 = vector.broadcast %get3A_48 : vector<1x128xf32> to vector<16384x128xf32>
    %add3A_50 = arith.addf %dot_general3A_45, %add3A_49 : vector<16384x128xf32>
    %get3A_51 = arith.constant 0 : index
    %get3A_52 = arith.constant 0 : index
    %get3A_53 = vector.load %arg3[%get3A_51, %get3A_52] : memref<256x64xf32, #tpu.memory_space<vmem>>, vector<256x64xf32>
    %broadcast_in_dim3A_54 = vector.shape_cast %get3A_53 : vector<256x64xf32> to vector<256x64x1xf32>
    %reshape3A_55 = vector.shape_cast %add3A_50 : vector<16384x128xf32> to vector<256x64x128xf32>
    %mul3A_56 = vector.broadcast %broadcast_in_dim3A_54 : vector<256x64x1xf32> to vector<256x64x128xf32>
    %mul3A_57 = arith.mulf %reshape3A_55, %mul3A_56 : vector<256x64x128xf32>
    %reshape3A_58 = vector.shape_cast %mul3A_57 : vector<256x64x128xf32> to vector<16384x128xf32>
    %reduce_sum3A = arith.constant dense<0.000000e+00> : vector<128xf32>
    %reduce_sum3A_59 = vector.multi_reduction <add>, %reshape3A_58, %reduce_sum3A [0] : vector<16384x128xf32> to vector<128xf32>
    %mul3A_60 = arith.mulf %reshape3A_58, %add3A_50 : vector<16384x128xf32>
    %reduce_sum3A_61 = arith.constant dense<0.000000e+00> : vector<128xf32>
    %reduce_sum3A_62 = vector.multi_reduction <add>, %mul3A_60, %reduce_sum3A_61 [0] : vector<16384x128xf32> to vector<128xf32>
    %eq3A = arith.constant 0 : i32
    %eq3A_63 = arith.cmpi eq, %arg0, %eq3A : i32
    %convert_element_type3A = arith.extui %eq3A_63 : i1 to i32
    %cond3A = arith.constant 0 : i32
    %cond3A_64 = arith.cmpi ne, %convert_element_type3A, %cond3A : i32
    scf.if %cond3A_64 {
      %broadcast_in_dim3A_80 = arith.constant 0.000000e+00 : f32
      %broadcast_in_dim3A_81 = vector.broadcast %broadcast_in_dim3A_80 : f32 to vector<8x128xf32>
      %swap3A_82 = arith.constant 0 : index
      %swap3A_83 = arith.constant 0 : index
      %swap3A_84 = vector.load %arg12[%swap3A_82, %swap3A_83] : memref<8x128xf32, #tpu.memory_space<vmem>>, vector<8x128xf32>
      tpu.vector_store %arg12[%swap3A_82, %swap3A_83], %broadcast_in_dim3A_81 {strides = array<i32>} : memref<8x128xf32, #tpu.memory_space<vmem>>, vector<8x128xf32>,
    } else {
    }
    %get3A_65 = arith.constant 0 : index
    %get3A_66 = arith.constant 0 : index
    %get3A_67 = vector.load %arg12[%get3A_65, %get3A_66] : memref<8x128xf32, #tpu.memory_space<vmem>>, vector<1x128xf32>
    %broadcast_in_dim3A_68 = vector.shape_cast %reduce_sum3A_59 : vector<128xf32> to vector<1x128xf32>
    %add3A_69 = arith.addf %get3A_67, %broadcast_in_dim3A_68 : vector<1x128xf32>
    %swap3A = arith.constant 0 : index
    %swap3A_70 = arith.constant 0 : index
    %swap3A_71 = vector.load %arg12[%swap3A, %swap3A_70] : memref<8x128xf32, #tpu.memory_space<vmem>>, vector<1x128xf32>
    tpu.vector_store %arg12[%swap3A, %swap3A_70], %add3A_69 {strides = array<i32>} : memref<8x128xf32, #tpu.memory_space<vmem>>, vector<1x128xf32>,
    %get3A_72 = arith.constant 1 : index
    %get3A_73 = arith.constant 0 : index
    %get3A_74 = vector.load %arg12[%get3A_72, %get3A_73] : memref<8x128xf32, #tpu.memory_space<vmem>>, vector<1x128xf32>
    %broadcast_in_dim3A_75 = vector.shape_cast %reduce_sum3A_62 : vector<128xf32> to vector<1x128xf32>
    %add3A_76 = arith.addf %get3A_74, %broadcast_in_dim3A_75 : vector<1x128xf32>
    %swap3A_77 = arith.constant 1 : index
    %swap3A_78 = arith.constant 0 : index
    %swap3A_79 = vector.load %arg12[%swap3A_77, %swap3A_78] : memref<8x128xf32, #tpu.memory_space<vmem>>, vector<1x128xf32>
    tpu.vector_store %arg12[%swap3A_77, %swap3A_78], %add3A_76 {strides = array<i32>} : memref<8x128xf32, #tpu.memory_space<vmem>>, vector<1x128xf32>,
    return
  }
  func.func @transform_0(%arg0: i32) -> (i32, i32) {
    %c0_i32 = arith.constant 0 : i32
    %c0_i32_0 = arith.constant 0 : i32
    return %arg0, %c0_i32 : i32, i32
  }
  func.func @transform_1(%arg0: i32) -> (i32, i32) {
    %c0_i32 = arith.constant 0 : i32
    %c0_i32_0 = arith.constant 0 : i32
    return %arg0, %c0_i32 : i32, i32
  }
  func.func @transform_2(%arg0: i32) -> (i32, i32) {
    %c0_i32 = arith.constant 0 : i32
    %c0_i32_0 = arith.constant 0 : i32
    return %arg0, %c0_i32 : i32, i32
  }
  func.func @transform_3(%arg0: i32) -> (i32, i32) {
    %c0_i32 = arith.constant 0 : i32
    %c0_i32_0 = arith.constant 0 : i32
    %c0_i32_1 = arith.constant 0 : i32
    return %c0_i32, %c0_i32_0 : i32, i32
  }
  func.func @transform_4(%arg0: i32) -> (i32, i32) {
    %c0_i32 = arith.constant 0 : i32
    %c0_i32_0 = arith.constant 0 : i32
    %c0_i32_1 = arith.constant 0 : i32
    return %c0_i32, %c0_i32_0 : i32, i32
  }
  func.func @transform_5(%arg0: i32) -> (i32, i32) {
    %c0_i32 = arith.constant 0 : i32
    %c0_i32_0 = arith.constant 0 : i32
    %c0_i32_1 = arith.constant 0 : i32
    return %c0_i32, %c0_i32_0 : i32, i32
  }
  func.func @transform_6(%arg0: i32) -> (i32, i32) {
    %c0_i32 = arith.constant 0 : i32
    %c0_i32_0 = arith.constant 0 : i32
    %c0_i32_1 = arith.constant 0 : i32
    return %c0_i32, %c0_i32_0 : i32, i32
  }
  func.func @transform_7(%arg0: i32) -> (i32, i32) {
    %c0_i32 = arith.constant 0 : i32
    %c0_i32_0 = arith.constant 0 : i32
    %c0_i32_1 = arith.constant 0 : i32
    return %c0_i32, %c0_i32_0 : i32, i32
  }
  func.func @transform_8(%arg0: i32) -> (i32, i32) {
    %c0_i32 = arith.constant 0 : i32
    %c0_i32_0 = arith.constant 0 : i32
    %c0_i32_1 = arith.constant 0 : i32
    return %c0_i32, %c0_i32_0 : i32, i32
  }
  func.func @transform_9(%arg0: i32) -> (i32, i32) {
    %c0_i32 = arith.constant 0 : i32
    %c0_i32_0 = arith.constant 0 : i32
    %c0_i32_1 = arith.constant 0 : i32
    return %c0_i32, %c0_i32_0 : i32, i32
  }
  func.func @transform_10(%arg0: i32) -> (i32, i32) {
    %c0_i32 = arith.constant 0 : i32
    %c0_i32_0 = arith.constant 0 : i32
    %c0_i32_1 = arith.constant 0 : i32
    return %c0_i32, %c0_i32_0 : i32, i32
  }
  func.func @transform_11(%arg0: i32) -> (i32, i32) {
    %c0_i32 = arith.constant 0 : i32
    %c0_i32_0 = arith.constant 0 : i32
    %c0_i32_1 = arith.constant 0 : i32
    return %c0_i32, %c0_i32_0 : i32, i32
  }
}

module attributes {stable_mosaic.version = 14 : i64} {
  func.func @_final_kernel(%arg0: i32, %arg1: memref<16384x64xf32, #tpu.memory_space<vmem>>, %arg2: memref<256x64xf32, #tpu.memory_space<vmem>>, %arg3: memref<256x64xf32, #tpu.memory_space<vmem>>, %arg4: memref<1x64xf32, #tpu.memory_space<vmem>>, %arg5: memref<1x64xf32, #tpu.memory_space<vmem>>, %arg6: memref<64x64xf32, #tpu.memory_space<vmem>>, %arg7: memref<1x64xf32, #tpu.memory_space<vmem>>, %arg8: memref<1x64xf32, #tpu.memory_space<vmem>>, %arg9: memref<1x64xf32, #tpu.memory_space<vmem>>, %arg10: memref<64x128xf32, #tpu.memory_space<vmem>>, %arg11: memref<1x128xf32, #tpu.memory_space<vmem>>, %arg12: memref<1x128xf32, #tpu.memory_space<vmem>>, %arg13: memref<1x128xf32, #tpu.memory_space<vmem>>, %arg14: memref<256x128xf32, #tpu.memory_space<vmem>>) attributes {dimension_semantics = [#tpu.dimension_semantics<arbitrary>], iteration_bounds = array<i64: 32>, scalar_prefetch = 0 : i64, scratch_operands = 0 : i64, tpu.core_type = #tpu.core_type<tc>, window_params = [{transform_indices = @transform_0, window_bounds = array<i64: 16384, 64>}, {transform_indices = @transform_1, window_bounds = array<i64: 256, 64>}, {transform_indices = @transform_2, window_bounds = array<i64: 256, 64>}, {pipeline_mode = #tpu.pipeline_mode<synchronous>, transform_indices = @transform_3, window_bounds = array<i64: 1, 64>}, {pipeline_mode = #tpu.pipeline_mode<synchronous>, transform_indices = @transform_4, window_bounds = array<i64: 1, 64>}, {pipeline_mode = #tpu.pipeline_mode<synchronous>, transform_indices = @transform_5, window_bounds = array<i64: 64, 64>}, {pipeline_mode = #tpu.pipeline_mode<synchronous>, transform_indices = @transform_6, window_bounds = array<i64: 1, 64>}, {pipeline_mode = #tpu.pipeline_mode<synchronous>, transform_indices = @transform_7, window_bounds = array<i64: 1, 64>}, {pipeline_mode = #tpu.pipeline_mode<synchronous>, transform_indices = @transform_8, window_bounds = array<i64: 1, 64>}, {pipeline_mode = #tpu.pipeline_mode<synchronous>, transform_indices = @transform_9, window_bounds = array<i64: 64, 128>}, {pipeline_mode = #tpu.pipeline_mode<synchronous>, transform_indices = @transform_10, window_bounds = array<i64: 1, 128>}, {pipeline_mode = #tpu.pipeline_mode<synchronous>, transform_indices = @transform_11, window_bounds = array<i64: 1, 128>}, {pipeline_mode = #tpu.pipeline_mode<synchronous>, transform_indices = @transform_12, window_bounds = array<i64: 1, 128>}, {transform_indices = @transform_13, window_bounds = array<i64: 256, 128>}]} {
    %get3A = arith.constant 0 : index
    %get3A_0 = arith.constant 0 : index
    %get3A_1 = vector.load %arg1[%get3A, %get3A_0] : memref<16384x64xf32, #tpu.memory_space<vmem>>, vector<16384x64xf32>
    %reshape3A = vector.shape_cast %get3A_1 : vector<16384x64xf32> to vector<256x64x64xf32>
    %get3A_2 = arith.constant 0 : index
    %get3A_3 = arith.constant 0 : index
    %get3A_4 = vector.load %arg2[%get3A_2, %get3A_3] : memref<256x64xf32, #tpu.memory_space<vmem>>, vector<256x64xf32>
    %broadcast_in_dim3A = vector.shape_cast %get3A_4 : vector<256x64xf32> to vector<256x1x64xf32>
    %sub3A = vector.broadcast %broadcast_in_dim3A : vector<256x1x64xf32> to vector<256x64x64xf32>
    %sub3A_5 = arith.subf %reshape3A, %sub3A : vector<256x64x64xf32>
    %get3A_6 = arith.constant 0 : index
    %get3A_7 = arith.constant 0 : index
    %get3A_8 = vector.load %arg4[%get3A_6, %get3A_7] : memref<1x64xf32, #tpu.memory_space<vmem>>, vector<1x64xf32>
    %broadcast_in_dim3A_9 = vector.shape_cast %get3A_8 : vector<1x64xf32> to vector<1x1x64xf32>
    %mul3A = vector.broadcast %broadcast_in_dim3A_9 : vector<1x1x64xf32> to vector<256x64x64xf32>
    %mul3A_10 = arith.mulf %sub3A_5, %mul3A : vector<256x64x64xf32>
    %get3A_11 = arith.constant 0 : index
    %get3A_12 = arith.constant 0 : index
    %get3A_13 = vector.load %arg5[%get3A_11, %get3A_12] : memref<1x64xf32, #tpu.memory_space<vmem>>, vector<1x64xf32>
    %broadcast_in_dim3A_14 = vector.shape_cast %get3A_13 : vector<1x64xf32> to vector<1x1x64xf32>
    %add3A = vector.broadcast %broadcast_in_dim3A_14 : vector<1x1x64xf32> to vector<256x64x64xf32>
    %add3A_15 = arith.addf %mul3A_10, %add3A : vector<256x64x64xf32>
    %max3A = arith.constant 0.000000e+00 : f32
    %max3A_16 = vector.broadcast %max3A : f32 to vector<256x64x64xf32>
    %max3A_17 = arith.maximumf %add3A_15, %max3A_16 : vector<256x64x64xf32>
    %reshape3A_18 = vector.shape_cast %max3A_17 : vector<256x64x64xf32> to vector<16384x64xf32>
    %get3A_19 = arith.constant 0 : index
    %get3A_20 = arith.constant 0 : index
    %get3A_21 = vector.load %arg6[%get3A_19, %get3A_20] : memref<64x64xf32, #tpu.memory_space<vmem>>, vector<64x64xf32>
    %dot_general3A = arith.constant dense<0.000000e+00> : vector<16384x64xf32>
    %dot_general3A_22 = tpu.matmul %reshape3A_18, %get3A_21, %dot_general3A {dimension_numbers = #tpu.dot_dimension_numbers<[1], [0], [0], [1], [0, 0, 1, 1], [], []>, transpose_lhs_hint = false} : vector<16384x64xf32>, vector<64x64xf32>, vector<16384x64xf32> -> vector<16384x64xf32>
    %get3A_23 = arith.constant 0 : index
    %get3A_24 = arith.constant 0 : index
    %get3A_25 = vector.load %arg7[%get3A_23, %get3A_24] : memref<1x64xf32, #tpu.memory_space<vmem>>, vector<1x64xf32>
    %add3A_26 = vector.broadcast %get3A_25 : vector<1x64xf32> to vector<16384x64xf32>
    %add3A_27 = arith.addf %dot_general3A_22, %add3A_26 : vector<16384x64xf32>
    %get3A_28 = arith.constant 0 : index
    %get3A_29 = arith.constant 0 : index
    %get3A_30 = vector.load %arg8[%get3A_28, %get3A_29] : memref<1x64xf32, #tpu.memory_space<vmem>>, vector<1x64xf32>
    %mul3A_31 = vector.broadcast %get3A_30 : vector<1x64xf32> to vector<16384x64xf32>
    %mul3A_32 = arith.mulf %add3A_27, %mul3A_31 : vector<16384x64xf32>
    %get3A_33 = arith.constant 0 : index
    %get3A_34 = arith.constant 0 : index
    %get3A_35 = vector.load %arg9[%get3A_33, %get3A_34] : memref<1x64xf32, #tpu.memory_space<vmem>>, vector<1x64xf32>
    %add3A_36 = vector.broadcast %get3A_35 : vector<1x64xf32> to vector<16384x64xf32>
    %add3A_37 = arith.addf %mul3A_32, %add3A_36 : vector<16384x64xf32>
    %max3A_38 = arith.constant 0.000000e+00 : f32
    %max3A_39 = vector.broadcast %max3A_38 : f32 to vector<16384x64xf32>
    %max3A_40 = arith.maximumf %add3A_37, %max3A_39 : vector<16384x64xf32>
    %get3A_41 = arith.constant 0 : index
    %get3A_42 = arith.constant 0 : index
    %get3A_43 = vector.load %arg10[%get3A_41, %get3A_42] : memref<64x128xf32, #tpu.memory_space<vmem>>, vector<64x128xf32>
    %dot_general3A_44 = arith.constant dense<0.000000e+00> : vector<16384x128xf32>
    %dot_general3A_45 = tpu.matmul %max3A_40, %get3A_43, %dot_general3A_44 {dimension_numbers = #tpu.dot_dimension_numbers<[1], [0], [0], [1], [0, 0, 1, 1], [], []>, transpose_lhs_hint = false} : vector<16384x64xf32>, vector<64x128xf32>, vector<16384x128xf32> -> vector<16384x128xf32>
    %get3A_46 = arith.constant 0 : index
    %get3A_47 = arith.constant 0 : index
    %get3A_48 = vector.load %arg11[%get3A_46, %get3A_47] : memref<1x128xf32, #tpu.memory_space<vmem>>, vector<1x128xf32>
    %add3A_49 = vector.broadcast %get3A_48 : vector<1x128xf32> to vector<16384x128xf32>
    %add3A_50 = arith.addf %dot_general3A_45, %add3A_49 : vector<16384x128xf32>
    %get3A_51 = arith.constant 0 : index
    %get3A_52 = arith.constant 0 : index
    %get3A_53 = vector.load %arg12[%get3A_51, %get3A_52] : memref<1x128xf32, #tpu.memory_space<vmem>>, vector<1x128xf32>
    %mul3A_54 = vector.broadcast %get3A_53 : vector<1x128xf32> to vector<16384x128xf32>
    %mul3A_55 = arith.mulf %add3A_50, %mul3A_54 : vector<16384x128xf32>
    %get3A_56 = arith.constant 0 : index
    %get3A_57 = arith.constant 0 : index
    %get3A_58 = vector.load %arg13[%get3A_56, %get3A_57] : memref<1x128xf32, #tpu.memory_space<vmem>>, vector<1x128xf32>
    %add3A_59 = vector.broadcast %get3A_58 : vector<1x128xf32> to vector<16384x128xf32>
    %add3A_60 = arith.addf %mul3A_55, %add3A_59 : vector<16384x128xf32>
    %max3A_61 = arith.constant 0.000000e+00 : f32
    %max3A_62 = vector.broadcast %max3A_61 : f32 to vector<16384x128xf32>
    %max3A_63 = arith.maximumf %add3A_60, %max3A_62 : vector<16384x128xf32>
    %get3A_64 = arith.constant 0 : index
    %get3A_65 = arith.constant 0 : index
    %get3A_66 = vector.load %arg3[%get3A_64, %get3A_65] : memref<256x64xf32, #tpu.memory_space<vmem>>, vector<256x64xf32>
    %broadcast_in_dim3A_67 = vector.shape_cast %get3A_66 : vector<256x64xf32> to vector<256x64x1xf32>
    %gt3A = arith.constant 5.000000e-01 : f32
    %gt3A_68 = vector.broadcast %gt3A : f32 to vector<256x64x1xf32>
    %gt3A_69 = arith.cmpf ogt, %broadcast_in_dim3A_67, %gt3A_68 : vector<256x64x1xf32>
    %reshape3A_70 = vector.shape_cast %max3A_63 : vector<16384x128xf32> to vector<256x64x128xf32>
    %jit3A = arith.constant 0xFF800000 : f32
    %broadcast_in_dim3A_71 = vector.shape_cast %gt3A_69 : vector<256x64x1xi1> to vector<256x64x1xi1>
    %broadcast_in_dim3A_72 = vector.broadcast %broadcast_in_dim3A_71 : vector<256x64x1xi1> to vector<256x64x128xi1>
    %broadcast_in_dim3A_73 = vector.broadcast %jit3A : f32 to vector<256x64x128xf32>
    %select_n3A = arith.select %broadcast_in_dim3A_72, %reshape3A_70, %broadcast_in_dim3A_73 : vector<256x64x128xi1>, vector<256x64x128xf32>
    %reduce_max3A = arith.constant dense<0xFF800000> : vector<256x128xf32>
    %reduce_max3A_74 = vector.multi_reduction <maximumf>, %select_n3A, %reduce_max3A [1] : vector<256x64x128xf32> to vector<256x128xf32>
    %is_finite3A = tpu.weird %reduce_max3A_74 : vector<256x128xf32> -> vector<256x128xi1>
    %is_finite3A_75 = arith.constant dense<true> : vector<256x128xi1>
    %is_finite3A_76 = arith.xori %is_finite3A, %is_finite3A_75 : vector<256x128xi1>
    %jit3A_77 = arith.constant 0.000000e+00 : f32
    %broadcast_in_dim3A_78 = vector.broadcast %jit3A_77 : f32 to vector<256x128xf32>
    %select_n3A_79 = arith.select %is_finite3A_76, %reduce_max3A_74, %broadcast_in_dim3A_78 : vector<256x128xi1>, vector<256x128xf32>
    %swap3A = arith.constant 0 : index
    %swap3A_80 = arith.constant 0 : index
    %swap3A_81 = vector.load %arg14[%swap3A, %swap3A_80] : memref<256x128xf32, #tpu.memory_space<vmem>>, vector<256x128xf32>
    tpu.vector_store %arg14[%swap3A, %swap3A_80], %select_n3A_79 {strides = array<i32>} : memref<256x128xf32, #tpu.memory_space<vmem>>, vector<256x128xf32>,
    return
  }
  func.func @transform_0(%arg0: i32) -> (i32, i32) {
    %c0_i32 = arith.constant 0 : i32
    %c0_i32_0 = arith.constant 0 : i32
    return %arg0, %c0_i32 : i32, i32
  }
  func.func @transform_1(%arg0: i32) -> (i32, i32) {
    %c0_i32 = arith.constant 0 : i32
    %c0_i32_0 = arith.constant 0 : i32
    return %arg0, %c0_i32 : i32, i32
  }
  func.func @transform_2(%arg0: i32) -> (i32, i32) {
    %c0_i32 = arith.constant 0 : i32
    %c0_i32_0 = arith.constant 0 : i32
    return %arg0, %c0_i32 : i32, i32
  }
  func.func @transform_3(%arg0: i32) -> (i32, i32) {
    %c0_i32 = arith.constant 0 : i32
    %c0_i32_0 = arith.constant 0 : i32
    %c0_i32_1 = arith.constant 0 : i32
    return %c0_i32, %c0_i32_0 : i32, i32
  }
  func.func @transform_4(%arg0: i32) -> (i32, i32) {
    %c0_i32 = arith.constant 0 : i32
    %c0_i32_0 = arith.constant 0 : i32
    %c0_i32_1 = arith.constant 0 : i32
    return %c0_i32, %c0_i32_0 : i32, i32
  }
  func.func @transform_5(%arg0: i32) -> (i32, i32) {
    %c0_i32 = arith.constant 0 : i32
    %c0_i32_0 = arith.constant 0 : i32
    %c0_i32_1 = arith.constant 0 : i32
    return %c0_i32, %c0_i32_0 : i32, i32
  }
  func.func @transform_6(%arg0: i32) -> (i32, i32) {
    %c0_i32 = arith.constant 0 : i32
    %c0_i32_0 = arith.constant 0 : i32
    %c0_i32_1 = arith.constant 0 : i32
    return %c0_i32, %c0_i32_0 : i32, i32
  }
  func.func @transform_7(%arg0: i32) -> (i32, i32) {
    %c0_i32 = arith.constant 0 : i32
    %c0_i32_0 = arith.constant 0 : i32
    %c0_i32_1 = arith.constant 0 : i32
    return %c0_i32, %c0_i32_0 : i32, i32
  }
  func.func @transform_8(%arg0: i32) -> (i32, i32) {
    %c0_i32 = arith.constant 0 : i32
    %c0_i32_0 = arith.constant 0 : i32
    %c0_i32_1 = arith.constant 0 : i32
    return %c0_i32, %c0_i32_0 : i32, i32
  }
  func.func @transform_9(%arg0: i32) -> (i32, i32) {
    %c0_i32 = arith.constant 0 : i32
    %c0_i32_0 = arith.constant 0 : i32
    %c0_i32_1 = arith.constant 0 : i32
    return %c0_i32, %c0_i32_0 : i32, i32
  }
  func.func @transform_10(%arg0: i32) -> (i32, i32) {
    %c0_i32 = arith.constant 0 : i32
    %c0_i32_0 = arith.constant 0 : i32
    %c0_i32_1 = arith.constant 0 : i32
    return %c0_i32, %c0_i32_0 : i32, i32
  }
  func.func @transform_11(%arg0: i32) -> (i32, i32) {
    %c0_i32 = arith.constant 0 : i32
    %c0_i32_0 = arith.constant 0 : i32
    %c0_i32_1 = arith.constant 0 : i32
    return %c0_i32, %c0_i32_0 : i32, i32
  }
  func.func @transform_12(%arg0: i32) -> (i32, i32) {
    %c0_i32 = arith.constant 0 : i32
    %c0_i32_0 = arith.constant 0 : i32
    %c0_i32_1 = arith.constant 0 : i32
    return %c0_i32, %c0_i32_0 : i32, i32
  }
  func.func @transform_13(%arg0: i32) -> (i32, i32) {
    %c0_i32 = arith.constant 0 : i32
    %c0_i32_0 = arith.constant 0 : i32
    return %arg0, %c0_i32 : i32, i32
  }
}

</mosaic_0001>

<sc_bundles>
// kernel: gather_offload_async_start.1
scs
__scs_entry_jumppad:
0x0: {  	(pc) =	sbr.rel $0x88, $3  }
0x1: {  	(tag) =	ssettag $0x0;
	lr =	simm.s32 $0x1  }
0x2: {  	[smem:$0x3F92] =	sst lr;
	_ =	strace $0xD0000000  }
0x3: {  	_ = 	snop  }
0x4: {  	_ = 	snop  }
0x5: {  	_ = 	snop  }
0x6: {  	_ = 	snop  }
0x7: {  	_ = 	snop  }
__scs_overlays_trampoline_lowered:
0x8: {  	[smem:$0x3FA1] =	sst s0  }
0x9: {  	[smem:$0x3FA2] =	sst s1  }
0xa: {  	[smem:$0x3FA3] =	sst s2  }
0xb: {  	[smem:$0x3FA4] =	sst s3  }
0xc: {  	[smem:$0x3FA5] =	sst s4  }
0xd: {  	[smem:$0x3FA6] =	sst s5  }
0xe: {  	[smem:$0x3FA7] =	sst s6  }
0xf: {  	[smem:$0x3FA8] =	sst s7  }
0x10: {  	[smem:$0x3FA9] =	sst s8  }
0x11: {  	[smem:$0x3FAA] =	sst s9;
	s0 =	simm.s32 @!p0 $0x0  }
0x12: {  	s1 =	sld [smem:$0x3F90];
	s0 =	simm.s32 @p0 $0x1  }
0x13: {  	[smem:$0x3FAB] =	sst s0;
	s0 =	simm.s32 @!p1 $0x0  }
0x14: {  	s2 =	sld [smem:$0x3F8F];
	s0 =	simm.s32 @p1 $0x1  }
0x15: {  	[smem:$0x3FAC] =	sst s0;
	s0 =	simm.s32 @!p2 $0x0  }
0x16: {  	s3 =	sld [smem:$0x3FDB];
	s0 =	simm.s32 @p2 $0x1  }
0x17: {  	s4 =	simm.s32 $0x1BF5;
	[smem:$0x3FAE] =	sst s0  }
0x18: {  	s0 =	sld [smem:$0x3F91];
	_ =	swait.ge [sflag:s4], $0x0  }
0x19: {  	s7 =	sld [smem:$0x3F92]  }
0x1a: {  	s8 =	sadd.s32 $0xFFFFE003, lr  }
0x1b: {  	s9 =	sadd.s32 $0xFFFFFEF7, lr;
	s5 =	simm.s32 $0xFFFFFFFF;
	p2 =	slt.u32 s8, $0xFFFFF086  }
0x1c: {  	p1 =	slt.u32 s9, $0xF7A;
	s5 =	simm.s32 @!p2 $0x0  }
0x1d: {  	s5 =	simm.s32 @p1 $0x1;
	p0 =	seq.s32 s7, s2  }
0x1e: {  	s7 =	smul.u32 @!p0 $0xF7A, s2;
	p2 =	seq.s32 @!p0 s5, $0x0  }
0x1f: {  	s9 =	smul.u32 $0xF7A, s1;
	s8 =	simm.s32 @!p0 $0x1BF5;
	p2 =	por !p2, p0  }
0x20: {  	[sflag:s8] =	ssyncset.s32 @!p0 $0xFFFFF086;
	s6 =	sadd.s32 @!p0 s3, s7;
	s7 =	simm.s32 @!p0 $0x108  }
0x21: {  	s3 =	sadd.s32 s3, s9;
	s6 =	sadd.s32 @!p0 $0x88, s6;
	s7 =	simm.s32 @p2 $0x1082  }
0x22: {  	[simem:s7], [sflag:s8] =	dma.local @!p0 [hbm:s6], $0xF7A  }
0x23: {  	s9 =	sor.u32 $0xD0000000, s2;
	s6 =	simm.s32 $0x108;
	_ =	swait.ge @!p0 [sflag:s8], $0x0  }
0x24: {  	s3 =	sadd.s32 $0x88, s3;
	s6 =	simm.s32 @!p1 $0x1082;
	[sflag:s4] =	ssyncset.s32 $0xFFFFF086  }
0x25: {  	[simem:s6], [sflag:s4] =	dma.local [hbm:s3], $0xF7A  }
0x26: {  	[smem:$0x3F92] =	sst s1;
	(tag) =	ssettag s2;
	_ =	strace s9  }
0x27: {  	s1 =	sld [smem:$0x3FA2]  }
0x28: {  	s2 =	sld [smem:$0x3FA3]  }
0x29: {  	s4 =	sld [smem:$0x3FA5]  }
0x2a: {  	p0 =	seq.s32 s5, $0x0;
	s5 =	sld [smem:$0x3FA6]  }
0x2b: {  	s6 =	sld [smem:$0x3FA7]  }
0x2c: {  	s7 =	sld [smem:$0x3FA8]  }
0x2d: {  	s3 =	simm.s32 $0x108;
	s8 =	sld [smem:$0x3FA9]  }
0x2e: {  	s3 =	simm.s32 @!p0 $0x1082;
	s9 =	sld [smem:$0x3FAA]  }
0x2f: {  	lr =	sadd.s32 s0, s3;
	s0 =	sld [smem:$0x3FA1]  }
0x30: {  	s3 =	sld [smem:$0x3FA4]  }
0x31: {  	[smem:$0x3FAD] =	sst s10  }
0x32: {  	s10 =	sld [smem:$0x3FAB];
	_ =	sdelay $0x3  }
0x33: {  	p0 =	seq.s32 s10, $0x1;
	s10 =	sld [smem:$0x3FAD];
	_ =	sdelay $0x3  }
0x34: {  	[smem:$0x3FAD] =	sst s10  }
0x35: {  	s10 =	sld [smem:$0x3FAC];
	_ =	sdelay $0x3  }
0x36: {  	p1 =	seq.s32 s10, $0x1;
	s10 =	sld [smem:$0x3FAD];
	_ =	sdelay $0x3  }
0x37: {  	[smem:$0x3FAD] =	sst s10  }
0x38: {  	s10 =	sld [smem:$0x3FAE]  }
0x39: {  	_ = 	snop;
	(pc) =	sbr.ind lr, $3  }
0x3a: {  	_ = 	snop  }
0x3b: {  	_ = 	snop  }
0x3c: {  	p2 =	seq.s32 s10, $0x1;
	s10 =	sld [smem:$0x3FAD]  }
0x3d: {  	_ =	shalt  }
0x3e: {  	_ =	shalt  }
0x3f: {  	_ =	shalt  }
0x40: {  	_ =	shalt  }
0x41: {  	_ =	shalt  }
0x42: {  	_ =	shalt  }
0x43: {  	_ =	shalt  }
0x44: {  	_ =	shalt  }
0x45: {  	_ =	shalt  }
0x46: {  	_ =	shalt  }
0x47: {  	_ =	shalt  }
0x48: {  	_ =	shalt  }
0x49: {  	_ =	shalt  }
0x4a: {  	_ =	shalt  }
0x4b: {  	_ =	shalt  }
0x4c: {  	_ =	shalt  }
0x4d: {  	_ =	shalt  }
0x4e: {  	_ =	shalt  }
0x4f: {  	_ =	shalt  }
0x50: {  	_ =	shalt  }
0x51: {  	_ =	shalt  }
0x52: {  	_ =	shalt  }
0x53: {  	_ =	shalt  }
0x54: {  	_ =	shalt  }
0x55: {  	_ =	shalt  }
0x56: {  	_ =	shalt  }
0x57: {  	_ =	shalt  }
0x58: {  	_ =	shalt  }
0x59: {  	_ =	shalt  }
0x5a: {  	_ =	shalt  }
0x5b: {  	_ =	shalt  }
0x5c: {  	_ =	shalt  }
0x5d: {  	_ =	shalt  }
0x5e: {  	_ =	shalt  }
0x5f: {  	_ =	shalt  }
0x60: {  	_ =	shalt  }
0x61: {  	_ =	shalt  }
0x62: {  	_ =	shalt  }
0x63: {  	_ =	shalt  }
0x64: {  	_ =	shalt  }
0x65: {  	_ =	shalt  }
0x66: {  	_ =	shalt  }
0x67: {  	_ =	shalt  }
0x68: {  	_ =	shalt  }
0x69: {  	_ =	shalt  }
0x6a: {  	_ =	shalt  }
0x6b: {  	_ =	shalt  }
0x6c: {  	_ =	shalt  }
0x6d: {  	_ =	shalt  }
0x6e: {  	_ =	shalt  }
0x6f: {  	_ =	shalt  }
0x70: {  	_ =	shalt  }
0x71: {  	_ =	shalt  }
0x72: {  	_ =	shalt  }
0x73: {  	_ =	shalt  }
0x74: {  	_ =	shalt  }
0x75: {  	_ =	shalt  }
0x76: {  	_ =	shalt  }
0x77: {  	_ =	shalt  }
0x78: {  	_ =	shalt  }
0x79: {  	_ =	shalt  }
0x7a: {  	_ =	shalt  }
0x7b: {  	_ =	shalt  }
0x7c: {  	_ =	shalt  }
0x7d: {  	_ =	shalt  }
0x7e: {  	_ =	shalt  }
0x7f: {  	_ =	shalt  }
0x80: {  	_ =	shalt  }
0x81: {  	_ =	shalt  }
0x82: {  	_ =	shalt  }
0x83: {  	_ =	shalt  }
0x84: {  	_ =	shalt  }
0x85: {  	_ =	shalt  }
0x86: {  	_ =	shalt  }
0x87: {  	_ =	shalt  }
.Lfunc_end0:
.L_simem_size_0:
called_computation.1_lowered:
.L_overlay_start_0:
0x88: {  	s2 =	sld [smem:$0x3FD9]  }
0x89: {  	s3 =	sld [smem:$0x3FFE];
	_ =	sdelay $0x1  }
0x8a: {  	s1 =	srdreg.scid  }
0x8b: {  	s0 =	sand.u32 $0x1, s1  }
0x8c: {  	s14 =	sshll.u32 s0, $0xA;
	s2 =	sadd.s32 s3, s2  }
0x8d: {  	s2 =	sadd.s32 s2, s14  }
0x8e: {  	[smem:$0x3FB9] =	sst s2  }
0x8f: {  	_ = 	snop  }
0x90: {  	s2 =	sld [smem:$0x3FD0];
	_ =	sdelay $0x2  }
0x91: {  	s15 =	simm.s32 $0xB;
	s4 =	simm.s32 $0x10  }
0x92: {  	[smem:s4], [sflag:s15] =	dma.local [hbm:s2], $0x1  }
0x93: {  	_ =	swait.eq [sflag:s15], $0x1  }
0x94: {  	[sflag:s15] =	ssyncset.done $0x0  }
0x95: {  	[sflag:s15] =	ssyncadd.s32 $0xFFFFFFFF  }
0x96: {  	s16 =	sld [smem:$0x10];
	(tm) =	ssettm $0x1  }
0x97: {  	s17 =	sld [smem:$0x3FFB];
	_ =	sdelay $0x3  }
0x98: {  	_ =	strace s17  }
0x99: {  	s3 =	sld [smem:$0x3FFC];
	_ =	sdelay $0x3  }
0x9a: {  	_ =	strace s3  }
0x9b: {  	s3 =	sld [smem:$0x3FFD];
	_ =	sdelay $0x3  }
0x9c: {  	_ =	strace s3  }
0x9d: {  	_ =	strace $0x8FFFFFFF  }
0x9e: {  	s18 =	sld [smem:$0x3FDB];
	_ =	sdelay $0x1  }
0x9f: {  	s19 =	simm.s32 $_scs_section_size  }
0xa0: {  	s5 =	simm.s32 $_size__tile_overlayer_lowered;
	s6 =	simm.s32 $_tile_overlayer_lowered  }
0xa1: {  	s22 =	simm.s32 $0x1BFF;
	s21 =	sshll.u32 s6, $0x1;
	s3 =	sadd.s32 s19, s18  }
0xa2: {  	s7 =	simm.s32 $0x0;
	s20 =	sshll.u32 s5, $0x1;
	s5 =	sadd.s32 s21, s3  }
0xa3: {  	[timem:s7], [sflag:s22] =	dma.local [hbm:s5], s20  }
0xa4: {  	_ =	swait.ge [sflag:s22], s20  }
0xa5: {  	s4 =	ssub.s32 $0x0, s20;
	[sflag:s22] =	ssyncset.done $0x0  }
0xa6: {  	[sflag:s22] =	ssyncadd.s32 s4;
	_ =	sdelay $0x1  }
0xa7: {  	s23 =	simm.s32 $0x1B8B  }
0xa8: {  	_ =	swait.ge [sflag:s23], $0x1  }
0xa9: {  	[sflag:s23] =	ssyncset.done $0x0  }
0xaa: {  	s25 =	simm.s32 $0x1B8E;
	s24 =	sld [smem:$0x3FFE];
	[sflag:s23] =	ssyncadd.s32 $0xFFFFFFFF  }
0xab: {  	s26 =	simm.s32 $execute0_lowered;
	[smem:$0x3FD2] =	sst s25  }
0xac: {  	s5 =	sshll.u32 s26, $0x1;
	_ =	strace $0x80000046;
	[dreg:$0x1] =	wrdreg $0xFFFFFFFF  }
0xad: {  	s28 =	simm.s32 $_size_execute0_lowered;
	s3 =	sadd.s32 s3, s5;
	[dreg:$0x0] =	wrdreg $0x0  }
0xae: {  	s5 =	sshll.u32 s28, $0x1;
	[dreg:$0x2] =	wrdreg s3  }
0xaf: {  	[dreg:$0x3] =	wrdreg s5  }
0xb0: {  	[dreg:$0x4] =	wrdreg $0xC0  }
0xb1: {  	_ =	task [dreg:s7], $0x5FFFF  }
0xb2: {  	[dreg:$0x1] =	wrdreg $0xFFFFFFFF  }
0xb3: {  	[dreg:$0x0] =	wrdreg $0x60  }
0xb4: {  	[dreg:$0x2] =	wrdreg s24  }
0xb5: {  	[dreg:$0x3] =	wrdreg s16  }
0xb6: {  	[dreg:$0x4] =	wrdreg $0xA  }
0xb7: {  	_ =	task.clear_ibuf [dreg:s7], $0x5FFFF;
	_ =	strace $0x90000046  }
0xb8: {  	s29 =	simm.s32 $0xA;
	_ =	strace $0x80000048  }
0xb9: {  	_ =	swait.ge [sflag:s29], $0x1  }
0xba: {  	[sflag:s29] =	ssyncadd.s32 $0xFFFFFFFF  }
0xbb: {  	_ =	strace $0x90000048  }
0xbc: {  	_ =	sfence  }
0xbd: {  	s30 =	sld [smem:$0x0];
	_ =	sdelay $0x2  }
0xbe: {  	s31 =	sshll.u32 s1, $0xD;
	s1 =	sshrl.u32 s1, $0x2  }
0xbf: {  	s3 =	sand.u32 $0x4000, s31;
	s1 =	sadd.s32 s1, s30  }
0xc0: {  	s0 =	sor.u32 s3, s0;
	s1 =	sshll.u32 s1, $0x11  }
0xc1: {  	s0 =	sor.u32 s1, s0  }
0xc2: {  	s0 =	sadd.s32 $0x8F2B, s0  }
0xc3: {  	[sflag:s0] =	ssyncadd.remote.s32 $0x1  }
0xc4: {  	_ =	sfence.sel $0xFFFF  }
0xc5: {  	[dreg:$0x0] =	wrdreg $0xFFFFFFFF;
	(pc) =	sbr.abs _section_cstart, $3  }
0xc6: {  	[dreg:$0x1] =	wrdreg $0xFFFFFFFF  }
0xc7: {  	_ =	task.clear_ibuf [dreg:s7], $0x2FFFF;
	_ =	strace $0x9FFFFFFF  }
0xc8: {  	(tm) =	ssettm $0x7FFFFFFF  }
0xc9: {  	_ =	shalt  }
tec
execute0_lowered:
.L_overlay_start_1:
0x0: {  	(tag) =	ssettag $0x1  }
0x1: {  	s7 =	rddreg [dreg:$0x0]  }
0x2: {  	s2 =	rddreg [dreg:$0x1]  }
0x3: {  	s0 =	rddreg [dreg:$0x2]  }
0x4: {  	s1 =	srdreg.scid;
	_ =	strace $0x80000047;
	s4 =	simm.s32 $0x1  }
0x5: {  	s9 =	simm.s32 $0x3;
	s12 =	simm.s32 $0x0;
	s5 =	sshll.u32 s1, $0x4  }
.Ltmp0:
0x6: {  	s1 =	stileid.u32;
	s5 =	sand.u32 $0x10, s5;
	(pc) =	sbr.rel .LBB2_1-.Ltmp0, $4  }
0x7: {  	s10 =	simm.s32 $0x0;
	s3 =	sadd.s32 $0x82800, s7;
	s6 =	sor.u32 s1, s5  }
0x8: {  	[sflag:s4] =	ssyncpa.u1 $0x0;
	s5 =	simm.s32 $0x2;
	s6 =	sshll.u32 s6, $0x8  }
0x9: {  	s7 =	sadd.s32 $0x102800, s7;
	[sflag:s5] =	ssyncpa.u1 $0x0;
	s8 =	sadd.s32 $0x100, s6  }
0xa: {  	vm0 =	vmmov $0xff;
	vm1 =	vcmask $0x3F20;
	[sflag:s9] =	ssyncpa.u1 $0x0;
	s9 =	simm.s32 $0x100;
	s11 =	smov.u32 s6  }
.LBB2_9:
0xb: {  	p0 =	seq.s32 s10, $0x2  }
.Ltmp1:
0xc: {  	_ = 	snop;
	(pc) =	sbr.rel @p0 .LBB2_11-.Ltmp1, $1  }
0xd: {  	_ =	sdelay $0x3  }
.LBB2_10:
0xe: {  	s12 =	sadd.s32 $0x100, s11  }
0xf: {  	s13 =	smov.u32 s6;
	p0 =	slt.s32 s12, s8  }
0x10: {  	s13 =	smov.u32 @p0 s12  }
0x11: {  	s10 =	sadd.s32 $0x1, s10;
	s12 =	smov.u32 s11;
	s11 =	smov.u32 s13  }
.LBB2_1:
0x12: {  	p0 =	sne.s32 s10, $0x0  }
.Ltmp2:
0x13: {  	_ = 	snop;
	(pc) =	sbr.rel @!p0 .LBB2_2-.Ltmp2, $1  }
0x14: {  	_ =	sdelay $0x3  }
0x15: {  	s13 =	sand.u32 $0x1, s10  }
0x16: {  	p0 =	seq.s32 s13, $0x0  }
.Ltmp3:
0x17: {  	_ = 	snop;
	(pc) =	sbr.rel @p0 .LBB2_9-.Ltmp3, $1  }
0x18: {  	_ =	sdelay $0x3  }
0x19: {  	_ =	swait.ge [sflag:s5], $0x100  }
0x1a: {  	[sflag:s5] =	ssyncset.done $0x0  }
0x1b: {  	s13 =	simm.s32 $0x0;
	[sflag:s5] =	ssyncadd.s32 $0xFFFFFF00  }
0x1c: {  	v0 =	vld.msk [tilespmem:s13+$0x100 ss:$0x1], $0xffff;
	_ =	sdelay $0x4  }
0x1d: {  	vm2 =	vgt.s32 v0, $0x0  }
0x1e: {  	v0 =	vnsel vm2, $0x0, v0  }
0x1f: {  	v0 =	vmin.u32 v0, $0x7FFF  }
0x20: {  	v0 =	vshll.u32 v0, $0x4;
	_ =	sdelay $0x3  }
0x21: {  	s13 =	simm.s32 $0x8200  }
0x22: {  	[tilespmem:s13], [sflag:$0x1] =	stream.indirect_vreg.gather [hbm:s3], $0x80, v0, vm0, $0x38;
	[tilespmem:$0x10200] =	vst v63  }
0x23: {  	s14 =	simm.s32 $0x8600;
	s31 =	simm.s32 $0x10  }
0x24: {  	[tilespmem:s14], [sflag:$0x1] =	stream.indirect_vreg.gather [hbm:s3], $0x80, v0, vm1, $0x38;
	[tilespmem:$0x10200] =	vst v63  }
0x25: {  	s14 =	simm.s32 $0x80;
	v0 =	vld.msk [tilespmem:s31+$0x100 ss:$0x1], $0xffff  }
.LBB2_5:
0x26: {  	p0 =	sne.s32 s14, $0x3C0;
	_ =	sdelay $0x4  }
0x27: {  	vm2 =	vgt.s32 v0, $0x0  }
0x28: {  	v0 =	vnsel vm2, $0x0, v0  }
0x29: {  	v0 =	vmin.u32 v0, $0x7FFF  }
0x2a: {  	v0 =	vshll.u32 v0, $0x4;
	_ =	sdelay $0x3  }
.Ltmp4:
0x2b: {  	s13 =	sadd.s32 $0x800, s13;
	(pc) =	sbr.rel @p0 .LBB2_5-.Ltmp4, $4  }
0x2c: {  	[tilespmem:s13], [sflag:$0x1] =	stream.indirect_vreg.gather [hbm:s3], $0x80, v0, vm0, $0x38;
	[tilespmem:$0x10200] =	vst v63  }
0x2d: {  	s15 =	sshra.s32 s14, $0x2;
	s16 =	sadd.s32 $0x400, s13  }
0x2e: {  	[tilespmem:s16], [sflag:$0x1] =	stream.indirect_vreg.gather [hbm:s3], $0x80, v0, vm1, $0x38;
	[tilespmem:$0x10200] =	vst v63  }
0x2f: {  	s14 =	sadd.s32 $0x40, s14;
	v0 =	vld.msk [tilespmem:s15+$0x100 ss:$0x1], $0xffff  }
0x30: {  	_ =	sdelay $0x3  }
0x31: {  	vm2 =	vgt.s32 v0, $0x0  }
0x32: {  	v0 =	vnsel vm2, $0x0, v0  }
0x33: {  	v0 =	vmin.u32 v0, $0x7FFF  }
0x34: {  	v0 =	vshll.u32 v0, $0x4;
	_ =	sdelay $0x3  }
0x35: {  	s13 =	sadd.s32 $0x800, s13  }
0x36: {  	[tilespmem:s13], [sflag:$0x1] =	stream.indirect_vreg.gather [hbm:s3], $0x80, v0, vm0, $0x38;
	[tilespmem:$0x10200] =	vst v63  }
0x37: {  	s13 =	sadd.s32 $0x400, s13  }
0x38: {  	[tilespmem:s13], [sflag:$0x1] =	stream.indirect_vreg.gather [hbm:s3], $0x80, v0, vm1, $0x38;
	[tilespmem:$0x10200] =	vst v63  }
0x39: {  	s12 =	sshll.u32 s12, $0x4;
	s14 =	simm.s32 $0x80;
	_ =	swait.ge [sflag:s4], $0x8000  }
0x3a: {  	s15 =	simm.s32 $0x8600;
	s12 =	sadd.s32 s12, s2;
	[sflag:s4] =	ssyncset.done $0x0  }
0x3b: {  	s16 =	sadd.s32 $0x0, s12;
	s13 =	simm.s32 $0x8200;
	[sflag:s4] =	ssyncadd.s32 $0xFFFF8000  }
.LBB2_7:
0x3c: {  	[hbm:s16] =	stream.linear.scatter [tilespmem:s13], [sflag:$0x3], $0x400, $0x38;
	[tilespmem:$0x10200] =	vst v63  }
0x3d: {  	s16 =	smov.u32 s14;
	s13 =	smov.u32 s15;
	p0 =	sne.s32 s14, $0xF80  }
.Ltmp5:
0x3e: {  	s14 =	sadd.s32 $0x80, s14;
	(pc) =	sbr.rel @p0 .LBB2_7-.Ltmp5, $2  }
0x3f: {  	_ =	sdelay $0x2  }
0x40: {  	s15 =	sadd.s32 $0x400, s15;
	s16 =	sadd.s32 s16, s12  }
.Ltmp6:
0x41: {  	(pc) =	sbr.rel .LBB2_9-.Ltmp6, $2  }
0x42: {  	_ =	sdelay $0x2  }
0x43: {  	[hbm:s16] =	stream.linear.scatter [tilespmem:s13], [sflag:$0x3], $0x400, $0x38;
	[tilespmem:$0x10200] =	vst v63  }
.LBB2_2:
.Ltmp7:
0x44: {  	(pc) =	sbr.rel .LBB2_10-.Ltmp7, $4  }
0x45: {  	_ = 	snop  }
0x46: {  	s12 =	sshrl.u32 s11, $0x3  }
0x47: {  	s13 =	sand.u32 $0x7, s11;
	s12 =	sadd.s32 s7, s12  }
0x48: {  	[tilespmem:s9], [sflag:$0x2] =	stream.linear.gather [hbm4b:s12+s13], $0x100, $0x38;
	[tilespmem:$0x10200] =	vst v63  }
.LBB2_11:
0x49: {  	s2 =	simm.s32 $0x3  }
0x4a: {  	_ =	swait.ge [sflag:s2], $0x8000  }
0x4b: {  	[sflag:s2] =	ssyncset.done $0x0  }
0x4c: {  	[sflag:s2] =	ssyncadd.s32 $0xFFFF8000  }
0x4d: {  	_ =	sfence.sel $0x180000  }
0x4e: {  	s3 =	simm.s32 $0x2;
	[bflag:$0x0] =	sbarrier.arrive $0xFFFF  }
0x4f: {  	[sflag:s3] =	ssyncpa.u1 $0x1  }
0x50: {  	s31 =	simm.s32 $0x1;
	[sflag:s2] =	ssyncpa.u1 $0x1  }
0x51: {  	[sflag:s31] =	ssyncpa.u1 $0x1  }
0x52: {  	p0 =	sne.s32 s1, $0x0;
	_ =	strace $0x90000047  }
0x53: {  	s0 =	sadd.s32 @!p0 $0x100000, s0;
	[bflag:$0x2] =	sbarrier.arrive $0xFFFF  }
0x54: {  	[sflag:s0] =	ssyncadd.tile.s32 @!p0 $0x1;
	_ =	shalt  }
.Lfunc_end2:
_tile_overlayer_lowered:
.L_overlay_start_2:
0x55: {  	(tag) =	ssettag $0x2  }
0x56: {  	s0 =	rddreg [dreg:$0x0];
	s2 =	stileid.u32  }
0x57: {  	s1 =	rddreg [dreg:$0x1];
	p0 =	sne.s32 s2, $0x0  }
0x58: {  	s3 =	rddreg [dreg:$0x2];
	[bflag:$0x3] =	sbarrier.arrive $0xFFFF;
	s2 =	simm.s32 @!p0 $0x1C01  }
0x59: {  	[timem:s3], [sflag:s2] =	dma.local @!p0 [hbm:s0], s1  }
0x5a: {  	s0 =	simm.s32 @!p0 $0x1  }
0x5b: {  	_ =	swait.ge @!p0 [sflag:s0], s1  }
0x5c: {  	s1 =	ssub.s32 @!p0 $0x0, s1;
	[sflag:s0] =	ssyncset.done @!p0 $0x0  }
0x5d: {  	[sflag:s0] =	ssyncadd.s32 @!p0 s1  }
0x5e: {  	[bflag:$0x3] =	sbarrier.arrive $0xFFFF  }
0x5f: {  	_ =	shalt  }

// kernel: gather_offload_async_start.2
scs
__scs_entry_jumppad:
0x0: {  	(pc) =	sbr.rel $0x88, $3  }
0x1: {  	(tag) =	ssettag $0x0;
	lr =	simm.s32 $0x1  }
0x2: {  	[smem:$0x3F92] =	sst lr;
	_ =	strace $0xD0000000  }
0x3: {  	_ = 	snop  }
0x4: {  	_ = 	snop  }
0x5: {  	_ = 	snop  }
0x6: {  	_ = 	snop  }
0x7: {  	_ = 	snop  }
__scs_overlays_trampoline_lowered:
0x8: {  	[smem:$0x3FA1] =	sst s0  }
0x9: {  	[smem:$0x3FA2] =	sst s1  }
0xa: {  	[smem:$0x3FA3] =	sst s2  }
0xb: {  	[smem:$0x3FA4] =	sst s3  }
0xc: {  	[smem:$0x3FA5] =	sst s4  }
0xd: {  	[smem:$0x3FA6] =	sst s5  }
0xe: {  	[smem:$0x3FA7] =	sst s6  }
0xf: {  	[smem:$0x3FA8] =	sst s7  }
0x10: {  	[smem:$0x3FA9] =	sst s8  }
0x11: {  	[smem:$0x3FAA] =	sst s9;
	s0 =	simm.s32 @!p0 $0x0  }
0x12: {  	s1 =	sld [smem:$0x3F90];
	s0 =	simm.s32 @p0 $0x1  }
0x13: {  	[smem:$0x3FAB] =	sst s0;
	s0 =	simm.s32 @!p1 $0x0  }
0x14: {  	s2 =	sld [smem:$0x3F8F];
	s0 =	simm.s32 @p1 $0x1  }
0x15: {  	[smem:$0x3FAC] =	sst s0;
	s0 =	simm.s32 @!p2 $0x0  }
0x16: {  	s3 =	sld [smem:$0x3FDB];
	s0 =	simm.s32 @p2 $0x1  }
0x17: {  	s4 =	simm.s32 $0x1BF5;
	[smem:$0x3FAE] =	sst s0  }
0x18: {  	s0 =	sld [smem:$0x3F91];
	_ =	swait.ge [sflag:s4], $0x0  }
0x19: {  	s7 =	sld [smem:$0x3F92]  }
0x1a: {  	s8 =	sadd.s32 $0xFFFFE003, lr  }
0x1b: {  	s9 =	sadd.s32 $0xFFFFFEF7, lr;
	s5 =	simm.s32 $0xFFFFFFFF;
	p2 =	slt.u32 s8, $0xFFFFF086  }
0x1c: {  	p1 =	slt.u32 s9, $0xF7A;
	s5 =	simm.s32 @!p2 $0x0  }
0x1d: {  	s5 =	simm.s32 @p1 $0x1;
	p0 =	seq.s32 s7, s2  }
0x1e: {  	s7 =	smul.u32 @!p0 $0xF7A, s2;
	p2 =	seq.s32 @!p0 s5, $0x0  }
0x1f: {  	s9 =	smul.u32 $0xF7A, s1;
	s8 =	simm.s32 @!p0 $0x1BF5;
	p2 =	por !p2, p0  }
0x20: {  	[sflag:s8] =	ssyncset.s32 @!p0 $0xFFFFF086;
	s6 =	sadd.s32 @!p0 s3, s7;
	s7 =	simm.s32 @!p0 $0x108  }
0x21: {  	s3 =	sadd.s32 s3, s9;
	s6 =	sadd.s32 @!p0 $0x88, s6;
	s7 =	simm.s32 @p2 $0x1082  }
0x22: {  	[simem:s7], [sflag:s8] =	dma.local @!p0 [hbm:s6], $0xF7A  }
0x23: {  	s9 =	sor.u32 $0xD0000000, s2;
	s6 =	simm.s32 $0x108;
	_ =	swait.ge @!p0 [sflag:s8], $0x0  }
0x24: {  	s3 =	sadd.s32 $0x88, s3;
	s6 =	simm.s32 @!p1 $0x1082;
	[sflag:s4] =	ssyncset.s32 $0xFFFFF086  }
0x25: {  	[simem:s6], [sflag:s4] =	dma.local [hbm:s3], $0xF7A  }
0x26: {  	[smem:$0x3F92] =	sst s1;
	(tag) =	ssettag s2;
	_ =	strace s9  }
0x27: {  	s1 =	sld [smem:$0x3FA2]  }
0x28: {  	s2 =	sld [smem:$0x3FA3]  }
0x29: {  	s4 =	sld [smem:$0x3FA5]  }
0x2a: {  	p0 =	seq.s32 s5, $0x0;
	s5 =	sld [smem:$0x3FA6]  }
0x2b: {  	s6 =	sld [smem:$0x3FA7]  }
0x2c: {  	s7 =	sld [smem:$0x3FA8]  }
0x2d: {  	s3 =	simm.s32 $0x108;
	s8 =	sld [smem:$0x3FA9]  }
0x2e: {  	s3 =	simm.s32 @!p0 $0x1082;
	s9 =	sld [smem:$0x3FAA]  }
0x2f: {  	lr =	sadd.s32 s0, s3;
	s0 =	sld [smem:$0x3FA1]  }
0x30: {  	s3 =	sld [smem:$0x3FA4]  }
0x31: {  	[smem:$0x3FAD] =	sst s10  }
0x32: {  	s10 =	sld [smem:$0x3FAB];
	_ =	sdelay $0x3  }
0x33: {  	p0 =	seq.s32 s10, $0x1;
	s10 =	sld [smem:$0x3FAD];
	_ =	sdelay $0x3  }
0x34: {  	[smem:$0x3FAD] =	sst s10  }
0x35: {  	s10 =	sld [smem:$0x3FAC];
	_ =	sdelay $0x3  }
0x36: {  	p1 =	seq.s32 s10, $0x1;
	s10 =	sld [smem:$0x3FAD];
	_ =	sdelay $0x3  }
0x37: {  	[smem:$0x3FAD] =	sst s10  }
0x38: {  	s10 =	sld [smem:$0x3FAE]  }
0x39: {  	_ = 	snop;
	(pc) =	sbr.ind lr, $3  }
0x3a: {  	_ = 	snop  }
0x3b: {  	_ = 	snop  }
0x3c: {  	p2 =	seq.s32 s10, $0x1;
	s10 =	sld [smem:$0x3FAD]  }
0x3d: {  	_ =	shalt  }
0x3e: {  	_ =	shalt  }
0x3f: {  	_ =	shalt  }
0x40: {  	_ =	shalt  }
0x41: {  	_ =	shalt  }
0x42: {  	_ =	shalt  }
0x43: {  	_ =	shalt  }
0x44: {  	_ =	shalt  }
0x45: {  	_ =	shalt  }
0x46: {  	_ =	shalt  }
0x47: {  	_ =	shalt  }
0x48: {  	_ =	shalt  }
0x49: {  	_ =	shalt  }
0x4a: {  	_ =	shalt  }
0x4b: {  	_ =	shalt  }
0x4c: {  	_ =	shalt  }
0x4d: {  	_ =	shalt  }
0x4e: {  	_ =	shalt  }
0x4f: {  	_ =	shalt  }
0x50: {  	_ =	shalt  }
0x51: {  	_ =	shalt  }
0x52: {  	_ =	shalt  }
0x53: {  	_ =	shalt  }
0x54: {  	_ =	shalt  }
0x55: {  	_ =	shalt  }
0x56: {  	_ =	shalt  }
0x57: {  	_ =	shalt  }
0x58: {  	_ =	shalt  }
0x59: {  	_ =	shalt  }
0x5a: {  	_ =	shalt  }
0x5b: {  	_ =	shalt  }
0x5c: {  	_ =	shalt  }
0x5d: {  	_ =	shalt  }
0x5e: {  	_ =	shalt  }
0x5f: {  	_ =	shalt  }
0x60: {  	_ =	shalt  }
0x61: {  	_ =	shalt  }
0x62: {  	_ =	shalt  }
0x63: {  	_ =	shalt  }
0x64: {  	_ =	shalt  }
0x65: {  	_ =	shalt  }
0x66: {  	_ =	shalt  }
0x67: {  	_ =	shalt  }
0x68: {  	_ =	shalt  }
0x69: {  	_ =	shalt  }
0x6a: {  	_ =	shalt  }
0x6b: {  	_ =	shalt  }
0x6c: {  	_ =	shalt  }
0x6d: {  	_ =	shalt  }
0x6e: {  	_ =	shalt  }
0x6f: {  	_ =	shalt  }
0x70: {  	_ =	shalt  }
0x71: {  	_ =	shalt  }
0x72: {  	_ =	shalt  }
0x73: {  	_ =	shalt  }
0x74: {  	_ =	shalt  }
0x75: {  	_ =	shalt  }
0x76: {  	_ =	shalt  }
0x77: {  	_ =	shalt  }
0x78: {  	_ =	shalt  }
0x79: {  	_ =	shalt  }
0x7a: {  	_ =	shalt  }
0x7b: {  	_ =	shalt  }
0x7c: {  	_ =	shalt  }
0x7d: {  	_ =	shalt  }
0x7e: {  	_ =	shalt  }
0x7f: {  	_ =	shalt  }
0x80: {  	_ =	shalt  }
0x81: {  	_ =	shalt  }
0x82: {  	_ =	shalt  }
0x83: {  	_ =	shalt  }
0x84: {  	_ =	shalt  }
0x85: {  	_ =	shalt  }
0x86: {  	_ =	shalt  }
0x87: {  	_ =	shalt  }
.Lfunc_end0:
.L_simem_size_0:
called_computation.2_lowered:
.L_overlay_start_0:
0x88: {  	s2 =	sld [smem:$0x3FD9]  }
0x89: {  	s3 =	sld [smem:$0x3FFE];
	_ =	sdelay $0x1  }
0x8a: {  	s1 =	srdreg.scid  }
0x8b: {  	s0 =	sand.u32 $0x1, s1  }
0x8c: {  	s14 =	sshll.u32 s0, $0xA;
	s2 =	sadd.s32 s3, s2  }
0x8d: {  	s2 =	sadd.s32 s2, s14  }
0x8e: {  	[smem:$0x3FB9] =	sst s2  }
0x8f: {  	_ = 	snop  }
0x90: {  	s2 =	sld [smem:$0x3FD0];
	_ =	sdelay $0x2  }
0x91: {  	s4 =	simm.s32 $0xB;
	s5 =	simm.s32 $0x10;
	s15 =	sld [smem:$0x3FC7]  }
0x92: {  	[smem:s5], [sflag:s4] =	dma.local [hbm:s2], $0x1  }
0x93: {  	_ =	swait.eq [sflag:s4], $0x1  }
0x94: {  	[sflag:s4] =	ssyncset.done $0x0  }
0x95: {  	[sflag:s4] =	ssyncadd.s32 $0xFFFFFFFF  }
0x96: {  	s16 =	sld [smem:$0x12];
	(tm) =	ssettm $0x1  }
0x97: {  	s17 =	sld [smem:$0x3FFB];
	_ =	sdelay $0x3  }
0x98: {  	_ =	strace s17  }
0x99: {  	s4 =	sld [smem:$0x3FFC];
	_ =	sdelay $0x3  }
0x9a: {  	_ =	strace s4  }
0x9b: {  	s4 =	sld [smem:$0x3FFD];
	_ =	sdelay $0x3  }
0x9c: {  	_ =	strace s4  }
0x9d: {  	_ =	strace $0x8FFFFFFF  }
0x9e: {  	s18 =	sld [smem:$0x3FDB];
	_ =	sdelay $0x1  }
0x9f: {  	s19 =	simm.s32 $_scs_section_size  }
0xa0: {  	s6 =	simm.s32 $_size__tile_overlayer_lowered;
	s7 =	simm.s32 $_tile_overlayer_lowered  }
0xa1: {  	s22 =	simm.s32 $0x1BFF;
	s21 =	sshll.u32 s7, $0x1;
	s4 =	sadd.s32 s19, s18  }
0xa2: {  	s8 =	simm.s32 $0x0;
	s20 =	sshll.u32 s6, $0x1;
	s6 =	sadd.s32 s21, s4  }
0xa3: {  	[timem:s8], [sflag:s22] =	dma.local [hbm:s6], s20  }
0xa4: {  	_ =	swait.ge [sflag:s22], s20  }
0xa5: {  	s5 =	ssub.s32 $0x0, s20;
	[sflag:s22] =	ssyncset.done $0x0  }
0xa6: {  	[sflag:s22] =	ssyncadd.s32 s5;
	_ =	sdelay $0x1  }
0xa7: {  	s23 =	simm.s32 $0x1B8B  }
0xa8: {  	_ =	swait.ge [sflag:s23], $0x1  }
0xa9: {  	[sflag:s23] =	ssyncset.done $0x0  }
0xaa: {  	s25 =	simm.s32 $0x1B8E;
	s24 =	sld [smem:$0x3FFE];
	[sflag:s23] =	ssyncadd.s32 $0xFFFFFFFF  }
0xab: {  	s26 =	simm.s32 $execute0_lowered;
	[smem:$0x3FD2] =	sst s25  }
0xac: {  	s6 =	sshll.u32 s26, $0x1;
	_ =	strace $0x8000004C;
	[dreg:$0x1] =	wrdreg $0xFFFFFFFF  }
0xad: {  	s28 =	simm.s32 $_size_execute0_lowered;
	s4 =	sadd.s32 s4, s6;
	[dreg:$0x0] =	wrdreg $0x0  }
0xae: {  	s6 =	sshll.u32 s28, $0x1;
	[dreg:$0x2] =	wrdreg s4  }
0xaf: {  	[dreg:$0x3] =	wrdreg s6  }
0xb0: {  	[dreg:$0x4] =	wrdreg $0xC0  }
0xb1: {  	_ =	task [dreg:s8], $0x5FFFF  }
0xb2: {  	[dreg:$0x1] =	wrdreg $0xFFFFFFFF  }
0xb3: {  	[dreg:$0x0] =	wrdreg $0x60  }
0xb4: {  	[dreg:$0x2] =	wrdreg s15  }
0xb5: {  	[dreg:$0x3] =	wrdreg s24  }
0xb6: {  	[dreg:$0x4] =	wrdreg s16  }
0xb7: {  	[dreg:$0x5] =	wrdreg $0x9  }
0xb8: {  	_ =	task.clear_ibuf [dreg:s8], $0x6FFFF;
	_ =	strace $0x9000004C  }
0xb9: {  	s29 =	simm.s32 $0x9;
	_ =	strace $0x8000004E  }
0xba: {  	_ =	swait.ge [sflag:s29], $0x1  }
0xbb: {  	[sflag:s29] =	ssyncadd.s32 $0xFFFFFFFF  }
0xbc: {  	_ =	strace $0x9000004E  }
0xbd: {  	_ =	sfence  }
0xbe: {  	s30 =	sld [smem:$0x0];
	_ =	sdelay $0x2  }
0xbf: {  	s31 =	sshll.u32 s1, $0xD;
	s1 =	sshrl.u32 s1, $0x2  }
0xc0: {  	s3 =	sand.u32 $0x4000, s31;
	s1 =	sadd.s32 s1, s30  }
0xc1: {  	s0 =	sor.u32 s3, s0;
	s1 =	sshll.u32 s1, $0x11  }
0xc2: {  	s0 =	sor.u32 s1, s0  }
0xc3: {  	s0 =	sadd.s32 $0x8F2B, s0  }
0xc4: {  	[sflag:s0] =	ssyncadd.remote.s32 $0x1  }
0xc5: {  	_ =	sfence.sel $0xFFFF  }
0xc6: {  	[dreg:$0x0] =	wrdreg $0xFFFFFFFF;
	(pc) =	sbr.abs _section_cstart, $3  }
0xc7: {  	[dreg:$0x1] =	wrdreg $0xFFFFFFFF  }
0xc8: {  	_ =	task.clear_ibuf [dreg:s8], $0x2FFFF;
	_ =	strace $0x9FFFFFFF  }
0xc9: {  	(tm) =	ssettm $0x7FFFFFFF  }
tec
execute0_lowered:
.L_overlay_start_1:
0x0: {  	(tag) =	ssettag $0x1  }
0x1: {  	s2 =	rddreg [dreg:$0x0]  }
0x2: {  	s1 =	srdreg.scid;
	s5 =	rddreg [dreg:$0x1]  }
0x3: {  	s0 =	stileid.u32;
	s3 =	rddreg [dreg:$0x2]  }
0x4: {  	s9 =	simm.s32 $0x1;
	s10 =	simm.s32 $0x3;
	s1 =	sshll.u32 s1, $0x7  }
0x5: {  	s13 =	simm.s32 $0x0;
	s4 =	sshll.u32 s0, $0x8;
	s6 =	sand.u32 $0x80, s1  }
0x6: {  	s12 =	simm.s32 $0x0;
	s5 =	sadd.s32 $0x102800, s5;
	s4 =	sor.u32 s4, s6  }
0x7: {  	s1 =	rddreg [dreg:$0x3];
	_ =	strace $0x8000004D;
	s8 =	ssub.s32 $0x2000, s4  }
.Ltmp0:
0x8: {  	s6 =	simm.s32 $0x1;
	s7 =	sand.u32 $0xF80, s8;
	(pc) =	sbr.rel .LBB2_1-.Ltmp0, $4  }
0x9: {  	[sflag:s6] =	ssyncpa.u1 $0x0;
	s11 =	smov.u32 s4;
	p0 =	sne.s32 s7, $0x0  }
0xa: {  	s8 =	sshrl.u32 s8, $0xC;
	s7 =	simm.s32 $0x2;
	s9 =	simm.s32 @!p0 $0x0  }
0xb: {  	[sflag:s7] =	ssyncpa.u1 $0x0;
	p0 =	por $0x0, $0x0;
	s8 =	sadd.s32 s9, s8  }
0xc: {  	vm0 =	vmmov $0xffff;
	[sflag:s10] =	ssyncpa.u1 $0x0;
	s10 =	simm.s32 $0x0;
	s9 =	sadd.s32 $0x1, s8  }
.LBB2_4:
0xd: {  	v2 =	vnsel vm1, $0x0, v2  }
0xe: {  	vm1 =	vgt.s32 v0, $0x0;
	v2 =	vmin.u32 v2, $0x7FFF  }
0xf: {  	v0 =	vnsel vm1, $0x0, v0  }
0x10: {  	v0 =	vmin.u32 v0, $0x7FFF  }
0x11: {  	[tilespmem:s15], [sflag:$0x1] =	stream.indirect_vreg.gather [hbm4b:s2+s10], $0x1, v1, vm0, $0x4038;
	[tilespmem:$0x200] =	vst v63  }
0x12: {  	(ifvalue) =	ssetifvalue $0x7FFFFFFF  }
0x13: {  	[tilespmem:s16], [sflag:$0x1] =	stream.indirect_vreg.gather [hbm4b:s2+s10], $0x1, v2, vm0, $0x4038;
	[tilespmem:$0x200] =	vst v63  }
0x14: {  	s29 =	sadd.s32 $0x10, s16;
	(ifvalue) =	ssetifvalue $0x7FFFFFFF  }
0x15: {  	[tilespmem:s29], [sflag:$0x1] =	stream.indirect_vreg.gather [hbm4b:s2+s10], $0x1, v0, vm0, $0x4038;
	[tilespmem:$0x200] =	vst v63  }
0x16: {  	_ =	swait.ge [sflag:s6], $0x80  }
0x17: {  	s30 =	sshrl.u32 s13, $0x3;
	[sflag:s6] =	ssyncset.done $0x0  }
0x18: {  	s31 =	sand.u32 $0x7, s13;
	s15 =	sadd.s32 s3, s30;
	[sflag:s6] =	ssyncadd.s32 $0xFFFFFF80  }
0x19: {  	[hbm4b:s15+s31] =	stream.linear.scatter [tilespmem:s14], [sflag:$0x3], $0x80, $0x38;
	[tilespmem:$0x200] =	vst v63  }
.LBB2_5:
0x1a: {  	s15 =	sadd.s32 $0x1000, s11  }
0x1b: {  	p2 =	sgt.s32 s15, $0x1FFF  }
0x1c: {  	s15 =	smov.u32 @p2 s4;
	p2 =	sne.s32 s12, s9  }
.Ltmp1:
0x1d: {  	p1 =	slt.u32 s12, $0x2;
	(pc) =	sbr.rel @!p2 .LBB2_6-.Ltmp1, $4  }
0x1e: {  	s14 =	simm.s32 @!p1 $0x3  }
0x1f: {  	s16 =	sadd.s32 $0x1, s12;
	_ =	swait.ge @!p1 [sflag:s14], $0x80  }
0x20: {  	s13 =	smov.u32 s11;
	p0 =	por !p0, !p0;
	[sflag:s14] =	ssyncset.done @!p1 $0x0  }
0x21: {  	s12 =	smov.u32 s16;
	s11 =	smov.u32 s15;
	[sflag:s14] =	ssyncadd.s32 @!p1 $0xFFFFFF80  }
.LBB2_1:
0x22: {  	p1 =	sge.u32 s12, s8  }
0x23: {  	s14 =	sxor.u32 @!p1 $0xFFFFFFFF, s12  }
0x24: {  	s31 =	sadd.s32 $0xFFFFFFFF, s12;
	s15 =	sshrl.u32 @!p1 s11, $0x3;
	s14 =	sshll.u32 @!p1 s14, $0x7  }
0x25: {  	s16 =	sand.u32 @!p1 $0x7, s11;
	s15 =	sadd.s32 @!p1 s5, s15;
	s14 =	sand.u32 @!p1 $0x80, s14  }
0x26: {  	[tilespmem:s14], [sflag:$0x2] =	stream.linear.gather @!p1 [hbm4b:s15+s16], $0x80, $0x38;
	[tilespmem:$0x200] =	vst v63  }
0x27: {  	p1 =	sge.u32 s31, s8  }
.Ltmp2:
0x28: {  	_ = 	snop;
	(pc) =	sbr.rel @p1 .LBB2_5-.Ltmp2, $1  }
0x29: {  	_ =	sdelay $0x3  }
0x2a: {  	s14 =	simm.s32 $0x1  }
0x2b: {  	_ =	swait.ge [sflag:s7], $0x80;
	s14 =	simm.s32 @!p0 $0x0  }
0x2c: {  	[sflag:s7] =	ssyncset.done $0x0;
	s14 =	sshll.u32 s14, $0x7  }
0x2d: {  	[sflag:s7] =	ssyncadd.s32 $0xFFFFFF80;
	(ifvalue) =	ssetifvalue $0x7FFFFFFF;
	v0 =	vld.msk [tilespmem:s14+$0x0 ss:$0x1], $0xffff;
	_ =	sdelay $0x4  }
0x2e: {  	s15 =	sadd.s32 $0x10, s14;
	vm1 =	vgt.s32 v0, $0x0  }
0x2f: {  	v2 =	vld.msk [tilespmem:s15+$0x0 ss:$0x1], $0xffff;
	v1 =	vnsel vm1, $0x0, v0  }
0x30: {  	v1 =	vmin.u32 v1, $0x7FFF;
	_ =	sdelay $0x1  }
0x31: {  	s16 =	sshll.u32 s12, $0x7;
	s18 =	simm.s32 $0x20  }
0x32: {  	s16 =	sand.u32 $0x80, s16;
	s17 =	sadd.s32 $0x10, s15;
	s15 =	sor.u32 $0x100, s14  }
0x33: {  	s14 =	sor.u32 $0x100, s16;
	s16 =	sadd.s32 $0x10, s15;
	v0 =	vld.msk [tilespmem:s17+$0x0 ss:$0x1], $0xffff;
	vm1 =	vgt.s32 v2, $0x0;
	(ifvalue) =	ssetifvalue $0x7FFFFFFF  }
.LBB2_3:
0x34: {  	[tilespmem:s15], [sflag:$0x1] =	stream.indirect_vreg.gather [hbm4b:s2+s10], $0x1, v1, vm0, $0x4038;
	[tilespmem:$0x200] =	vst v63  }
0x35: {  	s18 =	sadd.s32 $0x10, s18  }
0x36: {  	v2 =	vnsel vm1, $0x0, v2;
	p1 =	slt.u32 s18, $0x70  }
.Ltmp3:
0x37: {  	s15 =	smov.u32 s16;
	v1 =	vmin.u32 v2, $0x7FFF;
	(pc) =	sbr.rel @p1 .LBB2_3-.Ltmp3, $3  }
0x38: {  	_ =	sdelay $0x1  }
0x39: {  	s17 =	sadd.s32 $0x10, s17  }
0x3a: {  	vm1 =	vgt.s32 v0, $0x0;
	s16 =	sadd.s32 $0x10, s16;
	v2 =	vmov v0;
	(ifvalue) =	ssetifvalue $0x7FFFFFFF;
	v0 =	vld.msk [tilespmem:s17+$0x0 ss:$0x1], $0xffff  }
.Ltmp4:
0x3b: {  	_ = 	snop;
	(pc) =	sbr.rel .LBB2_4-.Ltmp4, $1  }
0x3c: {  	_ =	sdelay $0x3  }
.LBB2_6:
0x3d: {  	_ =	sfence.sel $0x180000  }
0x3e: {  	s2 =	simm.s32 $0x2;
	[bflag:$0x0] =	sbarrier.arrive $0xFFFF  }
0x3f: {  	s30 =	simm.s32 $0x3;
	[sflag:s2] =	ssyncpa.u1 $0x1  }
0x40: {  	s31 =	simm.s32 $0x1;
	[sflag:s30] =	ssyncpa.u1 $0x1  }
0x41: {  	[sflag:s31] =	ssyncpa.u1 $0x1  }
0x42: {  	p0 =	sne.s32 s0, $0x0;
	_ =	strace $0x9000004D  }
0x43: {  	s0 =	sadd.s32 @!p0 $0x100000, s1;
	[bflag:$0x2] =	sbarrier.arrive $0xFFFF  }
0x44: {  	[sflag:s0] =	ssyncadd.tile.s32 @!p0 $0x1;
	_ =	shalt  }
.Lfunc_end2:
_tile_overlayer_lowered:
.L_overlay_start_2:
0x45: {  	(tag) =	ssettag $0x2  }
0x46: {  	s0 =	rddreg [dreg:$0x0];
	s2 =	stileid.u32  }
0x47: {  	s1 =	rddreg [dreg:$0x1];
	p0 =	sne.s32 s2, $0x0  }
0x48: {  	s3 =	rddreg [dreg:$0x2];
	[bflag:$0x3] =	sbarrier.arrive $0xFFFF;
	s2 =	simm.s32 @!p0 $0x1C01  }
0x49: {  	[timem:s3], [sflag:s2] =	dma.local @!p0 [hbm:s0], s1  }
0x4a: {  	s0 =	simm.s32 @!p0 $0x1  }
0x4b: {  	_ =	swait.ge @!p0 [sflag:s0], s1  }
0x4c: {  	s1 =	ssub.s32 @!p0 $0x0, s1;
	[sflag:s0] =	ssyncset.done @!p0 $0x0  }
0x4d: {  	[sflag:s0] =	ssyncadd.s32 @!p0 s1  }
0x4e: {  	[bflag:$0x3] =	sbarrier.arrive $0xFFFF  }
0x4f: {  	_ =	shalt  }

// kernel: gather_offload_async_start
scs
__scs_entry_jumppad:
0x0: {  	(pc) =	sbr.rel $0x88, $3  }
0x1: {  	(tag) =	ssettag $0x0;
	lr =	simm.s32 $0x1  }
0x2: {  	[smem:$0x3F92] =	sst lr;
	_ =	strace $0xD0000000  }
0x3: {  	_ = 	snop  }
0x4: {  	_ = 	snop  }
0x5: {  	_ = 	snop  }
0x6: {  	_ = 	snop  }
0x7: {  	_ = 	snop  }
__scs_overlays_trampoline_lowered:
0x8: {  	[smem:$0x3FA1] =	sst s0  }
0x9: {  	[smem:$0x3FA2] =	sst s1  }
0xa: {  	[smem:$0x3FA3] =	sst s2  }
0xb: {  	[smem:$0x3FA4] =	sst s3  }
0xc: {  	[smem:$0x3FA5] =	sst s4  }
0xd: {  	[smem:$0x3FA6] =	sst s5  }
0xe: {  	[smem:$0x3FA7] =	sst s6  }
0xf: {  	[smem:$0x3FA8] =	sst s7  }
0x10: {  	[smem:$0x3FA9] =	sst s8  }
0x11: {  	[smem:$0x3FAA] =	sst s9;
	s0 =	simm.s32 @!p0 $0x0  }
0x12: {  	s1 =	sld [smem:$0x3F90];
	s0 =	simm.s32 @p0 $0x1  }
0x13: {  	[smem:$0x3FAB] =	sst s0;
	s0 =	simm.s32 @!p1 $0x0  }
0x14: {  	s2 =	sld [smem:$0x3F8F];
	s0 =	simm.s32 @p1 $0x1  }
0x15: {  	[smem:$0x3FAC] =	sst s0;
	s0 =	simm.s32 @!p2 $0x0  }
0x16: {  	s3 =	sld [smem:$0x3FDB];
	s0 =	simm.s32 @p2 $0x1  }
0x17: {  	s4 =	simm.s32 $0x1BF5;
	[smem:$0x3FAE] =	sst s0  }
0x18: {  	s0 =	sld [smem:$0x3F91];
	_ =	swait.ge [sflag:s4], $0x0  }
0x19: {  	s7 =	sld [smem:$0x3F92]  }
0x1a: {  	s8 =	sadd.s32 $0xFFFFE003, lr  }
0x1b: {  	s9 =	sadd.s32 $0xFFFFFEF7, lr;
	s5 =	simm.s32 $0xFFFFFFFF;
	p2 =	slt.u32 s8, $0xFFFFF086  }
0x1c: {  	p1 =	slt.u32 s9, $0xF7A;
	s5 =	simm.s32 @!p2 $0x0  }
0x1d: {  	s5 =	simm.s32 @p1 $0x1;
	p0 =	seq.s32 s7, s2  }
0x1e: {  	s7 =	smul.u32 @!p0 $0xF7A, s2;
	p2 =	seq.s32 @!p0 s5, $0x0  }
0x1f: {  	s9 =	smul.u32 $0xF7A, s1;
	s8 =	simm.s32 @!p0 $0x1BF5;
	p2 =	por !p2, p0  }
0x20: {  	[sflag:s8] =	ssyncset.s32 @!p0 $0xFFFFF086;
	s6 =	sadd.s32 @!p0 s3, s7;
	s7 =	simm.s32 @!p0 $0x108  }
0x21: {  	s3 =	sadd.s32 s3, s9;
	s6 =	sadd.s32 @!p0 $0x88, s6;
	s7 =	simm.s32 @p2 $0x1082  }
0x22: {  	[simem:s7], [sflag:s8] =	dma.local @!p0 [hbm:s6], $0xF7A  }
0x23: {  	s9 =	sor.u32 $0xD0000000, s2;
	s6 =	simm.s32 $0x108;
	_ =	swait.ge @!p0 [sflag:s8], $0x0  }
0x24: {  	s3 =	sadd.s32 $0x88, s3;
	s6 =	simm.s32 @!p1 $0x1082;
	[sflag:s4] =	ssyncset.s32 $0xFFFFF086  }
0x25: {  	[simem:s6], [sflag:s4] =	dma.local [hbm:s3], $0xF7A  }
0x26: {  	[smem:$0x3F92] =	sst s1;
	(tag) =	ssettag s2;
	_ =	strace s9  }
0x27: {  	s1 =	sld [smem:$0x3FA2]  }
0x28: {  	s2 =	sld [smem:$0x3FA3]  }
0x29: {  	s4 =	sld [smem:$0x3FA5]  }
0x2a: {  	p0 =	seq.s32 s5, $0x0;
	s5 =	sld [smem:$0x3FA6]  }
0x2b: {  	s6 =	sld [smem:$0x3FA7]  }
0x2c: {  	s7 =	sld [smem:$0x3FA8]  }
0x2d: {  	s3 =	simm.s32 $0x108;
	s8 =	sld [smem:$0x3FA9]  }
0x2e: {  	s3 =	simm.s32 @!p0 $0x1082;
	s9 =	sld [smem:$0x3FAA]  }
0x2f: {  	lr =	sadd.s32 s0, s3;
	s0 =	sld [smem:$0x3FA1]  }
0x30: {  	s3 =	sld [smem:$0x3FA4]  }
0x31: {  	[smem:$0x3FAD] =	sst s10  }
0x32: {  	s10 =	sld [smem:$0x3FAB];
	_ =	sdelay $0x3  }
0x33: {  	p0 =	seq.s32 s10, $0x1;
	s10 =	sld [smem:$0x3FAD];
	_ =	sdelay $0x3  }
0x34: {  	[smem:$0x3FAD] =	sst s10  }
0x35: {  	s10 =	sld [smem:$0x3FAC];
	_ =	sdelay $0x3  }
0x36: {  	p1 =	seq.s32 s10, $0x1;
	s10 =	sld [smem:$0x3FAD];
	_ =	sdelay $0x3  }
0x37: {  	[smem:$0x3FAD] =	sst s10  }
0x38: {  	s10 =	sld [smem:$0x3FAE]  }
0x39: {  	_ = 	snop;
	(pc) =	sbr.ind lr, $3  }
0x3a: {  	_ = 	snop  }
0x3b: {  	_ = 	snop  }
0x3c: {  	p2 =	seq.s32 s10, $0x1;
	s10 =	sld [smem:$0x3FAD]  }
0x3d: {  	_ =	shalt  }
0x3e: {  	_ =	shalt  }
0x3f: {  	_ =	shalt  }
0x40: {  	_ =	shalt  }
0x41: {  	_ =	shalt  }
0x42: {  	_ =	shalt  }
0x43: {  	_ =	shalt  }
0x44: {  	_ =	shalt  }
0x45: {  	_ =	shalt  }
0x46: {  	_ =	shalt  }
0x47: {  	_ =	shalt  }
0x48: {  	_ =	shalt  }
0x49: {  	_ =	shalt  }
0x4a: {  	_ =	shalt  }
0x4b: {  	_ =	shalt  }
0x4c: {  	_ =	shalt  }
0x4d: {  	_ =	shalt  }
0x4e: {  	_ =	shalt  }
0x4f: {  	_ =	shalt  }
0x50: {  	_ =	shalt  }
0x51: {  	_ =	shalt  }
0x52: {  	_ =	shalt  }
0x53: {  	_ =	shalt  }
0x54: {  	_ =	shalt  }
0x55: {  	_ =	shalt  }
0x56: {  	_ =	shalt  }
0x57: {  	_ =	shalt  }
0x58: {  	_ =	shalt  }
0x59: {  	_ =	shalt  }
0x5a: {  	_ =	shalt  }
0x5b: {  	_ =	shalt  }
0x5c: {  	_ =	shalt  }
0x5d: {  	_ =	shalt  }
0x5e: {  	_ =	shalt  }
0x5f: {  	_ =	shalt  }
0x60: {  	_ =	shalt  }
0x61: {  	_ =	shalt  }
0x62: {  	_ =	shalt  }
0x63: {  	_ =	shalt  }
0x64: {  	_ =	shalt  }
0x65: {  	_ =	shalt  }
0x66: {  	_ =	shalt  }
0x67: {  	_ =	shalt  }
0x68: {  	_ =	shalt  }
0x69: {  	_ =	shalt  }
0x6a: {  	_ =	shalt  }
0x6b: {  	_ =	shalt  }
0x6c: {  	_ =	shalt  }
0x6d: {  	_ =	shalt  }
0x6e: {  	_ =	shalt  }
0x6f: {  	_ =	shalt  }
0x70: {  	_ =	shalt  }
0x71: {  	_ =	shalt  }
0x72: {  	_ =	shalt  }
0x73: {  	_ =	shalt  }
0x74: {  	_ =	shalt  }
0x75: {  	_ =	shalt  }
0x76: {  	_ =	shalt  }
0x77: {  	_ =	shalt  }
0x78: {  	_ =	shalt  }
0x79: {  	_ =	shalt  }
0x7a: {  	_ =	shalt  }
0x7b: {  	_ =	shalt  }
0x7c: {  	_ =	shalt  }
0x7d: {  	_ =	shalt  }
0x7e: {  	_ =	shalt  }
0x7f: {  	_ =	shalt  }
0x80: {  	_ =	shalt  }
0x81: {  	_ =	shalt  }
0x82: {  	_ =	shalt  }
0x83: {  	_ =	shalt  }
0x84: {  	_ =	shalt  }
0x85: {  	_ =	shalt  }
0x86: {  	_ =	shalt  }
0x87: {  	_ =	shalt  }
.Lfunc_end0:
.L_simem_size_0:
called_computation_lowered:
.L_overlay_start_0:
0x88: {  	s2 =	sld [smem:$0x3FD9]  }
0x89: {  	s3 =	sld [smem:$0x3FFE];
	_ =	sdelay $0x1  }
0x8a: {  	s1 =	srdreg.scid  }
0x8b: {  	s0 =	sand.u32 $0x1, s1  }
0x8c: {  	s15 =	sshll.u32 s0, $0xA;
	s2 =	sadd.s32 s3, s2  }
0x8d: {  	s2 =	sadd.s32 s2, s15  }
0x8e: {  	[smem:$0x3FB9] =	sst s2  }
0x8f: {  	_ = 	snop  }
0x90: {  	s2 =	sld [smem:$0x3FD0];
	_ =	sdelay $0x2  }
0x91: {  	s16 =	simm.s32 $0xB;
	s4 =	simm.s32 $0x10  }
0x92: {  	[smem:s4], [sflag:s16] =	dma.local [hbm:s2], $0x1  }
0x93: {  	_ =	swait.eq [sflag:s16], $0x1  }
0x94: {  	[sflag:s16] =	ssyncset.done $0x0  }
0x95: {  	[sflag:s16] =	ssyncadd.s32 $0xFFFFFFFF  }
0x96: {  	s17 =	sld [smem:$0x12];
	(tm) =	ssettm $0x1  }
0x97: {  	s18 =	sld [smem:$0x3FFB];
	_ =	sdelay $0x3  }
0x98: {  	_ =	strace s18  }
0x99: {  	s2 =	sld [smem:$0x3FFC];
	_ =	sdelay $0x3  }
0x9a: {  	_ =	strace s2  }
0x9b: {  	s2 =	sld [smem:$0x3FFD];
	_ =	sdelay $0x3  }
0x9c: {  	_ =	strace s2  }
0x9d: {  	_ =	strace $0x8FFFFFFF  }
0x9e: {  	s19 =	sld [smem:$0x3FDB];
	_ =	sdelay $0x1  }
0x9f: {  	s20 =	simm.s32 $_scs_section_size  }
0xa0: {  	s5 =	simm.s32 $_size__tile_overlayer_lowered;
	s6 =	simm.s32 $_tile_overlayer_lowered  }
0xa1: {  	s7 =	simm.s32 $0x1BFF;
	s21 =	sshll.u32 s6, $0x1;
	s4 =	sadd.s32 s20, s19  }
0xa2: {  	s22 =	simm.s32 $0x0;
	s5 =	sshll.u32 s5, $0x1;
	s6 =	sadd.s32 s21, s4  }
0xa3: {  	[timem:s22], [sflag:s7] =	dma.local [hbm:s6], s5  }
0xa4: {  	_ =	swait.ge [sflag:s7], s5  }
0xa5: {  	s5 =	ssub.s32 $0x0, s5;
	[sflag:s7] =	ssyncset.done $0x0  }
0xa6: {  	[sflag:s7] =	ssyncadd.s32 s5;
	_ =	sdelay $0x1  }
0xa7: {  	s23 =	simm.s32 $0x1B8B  }
0xa8: {  	_ =	swait.ge [sflag:s23], $0x1  }
0xa9: {  	[sflag:s23] =	ssyncset.done $0x0  }
0xaa: {  	[sflag:s23] =	ssyncadd.s32 $0xFFFFFFFF  }
0xab: {  	s5 =	sld [smem:$0x0]  }
0xac: {  	s6 =	sand.u32 $0xFFFFFFFE, s1  }
0xad: {  	p0 =	sne.s32 s1, s6  }
0xae: {  	s6 =	sshll.u32 @p0 s6, $0xE  }
0xaf: {  	s6 =	sadd.s32 @p0 $0x11B8D, s6;
	s7 =	sshll.u32 @p0 s5, $0x11  }
0xb0: {  	s6 =	sor.u32 @p0 s7, s6  }
0xb1: {  	[sflag:s6] =	ssyncadd.remote.s32 @p0 $0x1;
	_ =	sdelay $0x1  }
0xb2: {  	s6 =	simm.s32 @p0 $0x1B8D  }
0xb3: {  	_ =	swait.eq @p0 [sflag:s6], $0x1  }
0xb4: {  	[sflag:s6] =	ssyncadd.s32 @p0 $0xFFFFFFFF  }
0xb5: {  	s7 =	sshll.u32 @!p0 s1, $0xE  }
0xb6: {  	s7 =	sor.u32 @!p0 $0x4000, s7;
	s6 =	simm.s32 @!p0 $0x1B8D  }
0xb7: {  	s5 =	sshll.u32 @!p0 s5, $0x11;
	s7 =	sadd.s32 @!p0 $0x11B8D, s7;
	_ =	swait.eq @!p0 [sflag:s6], $0x1  }
0xb8: {  	s5 =	sor.u32 @!p0 s5, s7;
	[sflag:s6] =	ssyncadd.s32 @!p0 $0xFFFFFFFF  }
0xb9: {  	s25 =	simm.s32 $0x1B8E;
	s24 =	sld [smem:$0x3FFE];
	[sflag:s5] =	ssyncadd.remote.s32 @!p0 $0x1  }
0xba: {  	s26 =	simm.s32 $execute0_lowered;
	[smem:$0x3FD2] =	sst s25  }
0xbb: {  	s6 =	sshll.u32 s26, $0x1;
	_ =	strace $0x80000049;
	[dreg:$0x1] =	wrdreg $0xFFFFFFFF  }
0xbc: {  	s28 =	simm.s32 $_size_execute0_lowered;
	s4 =	sadd.s32 s4, s6;
	[dreg:$0x0] =	wrdreg $0x0  }
0xbd: {  	s6 =	sshll.u32 s28, $0x1;
	[dreg:$0x2] =	wrdreg s4  }
0xbe: {  	[dreg:$0x3] =	wrdreg s6  }
0xbf: {  	[dreg:$0x4] =	wrdreg $0xC0  }
0xc0: {  	_ =	task [dreg:s22], $0x5FFFF  }
0xc1: {  	[dreg:$0x1] =	wrdreg $0xFFFFFFFF  }
0xc2: {  	[dreg:$0x0] =	wrdreg $0x60  }
0xc3: {  	[dreg:$0x2] =	wrdreg s24  }
0xc4: {  	[dreg:$0x3] =	wrdreg s17  }
0xc5: {  	[dreg:$0x4] =	wrdreg $0x9  }
0xc6: {  	_ =	task.clear_ibuf [dreg:s22], $0x5FFFF;
	_ =	strace $0x90000049  }
0xc7: {  	s29 =	simm.s32 $0x9;
	_ =	strace $0x8000004B  }
0xc8: {  	_ =	swait.ge [sflag:s29], $0x1  }
0xc9: {  	[sflag:s29] =	ssyncadd.s32 $0xFFFFFFFF  }
0xca: {  	_ =	strace $0x9000004B  }
0xcb: {  	_ =	sfence  }
0xcc: {  	s30 =	sld [smem:$0x0];
	_ =	sdelay $0x2  }
0xcd: {  	s31 =	sshll.u32 s1, $0xD;
	s1 =	sshrl.u32 s1, $0x2  }
0xce: {  	s4 =	sand.u32 $0x4000, s31;
	s1 =	sadd.s32 s1, s30  }
0xcf: {  	s0 =	sor.u32 s4, s0;
	s1 =	sshll.u32 s1, $0x11  }
0xd0: {  	s0 =	sor.u32 s1, s0  }
0xd1: {  	s0 =	sadd.s32 $0x8F2B, s0  }
0xd2: {  	[sflag:s0] =	ssyncadd.remote.s32 $0x1  }
0xd3: {  	_ =	sfence.sel $0xFFFF  }
0xd4: {  	[dreg:$0x0] =	wrdreg $0xFFFFFFFF;
	(pc) =	sbr.abs _section_cstart, $3  }
0xd5: {  	[dreg:$0x1] =	wrdreg $0xFFFFFFFF  }
0xd6: {  	_ =	task.clear_ibuf [dreg:s22], $0x2FFFF;
	_ =	strace $0x9FFFFFFF  }
0xd7: {  	(tm) =	ssettm $0x7FFFFFFF  }
tec
execute0_lowered:
.L_overlay_start_1:
0x0: {  	(tag) =	ssettag $0x1  }
0x1: {  	s7 =	rddreg [dreg:$0x0]  }
0x2: {  	s2 =	rddreg [dreg:$0x1]  }
0x3: {  	s0 =	rddreg [dreg:$0x2]  }
0x4: {  	s1 =	srdreg.scid;
	_ =	strace $0x8000004A;
	s4 =	simm.s32 $0x1  }
0x5: {  	s9 =	simm.s32 $0x3;
	s12 =	simm.s32 $0x0;
	s5 =	sshll.u32 s1, $0x4  }
.Ltmp0:
0x6: {  	s1 =	stileid.u32;
	s5 =	sand.u32 $0x10, s5;
	(pc) =	sbr.rel .LBB2_1-.Ltmp0, $4  }
0x7: {  	s10 =	simm.s32 $0x0;
	s3 =	sadd.s32 $0x82800, s7;
	s6 =	sor.u32 s1, s5  }
0x8: {  	[sflag:s4] =	ssyncpa.u1 $0x0;
	s5 =	simm.s32 $0x2;
	s6 =	sshll.u32 s6, $0x8  }
0x9: {  	s7 =	sadd.s32 $0x2800, s7;
	[sflag:s5] =	ssyncpa.u1 $0x0;
	s8 =	sadd.s32 $0x100, s6  }
0xa: {  	vm0 =	vmmov $0xff;
	vm1 =	vcmask $0x3F20;
	[sflag:s9] =	ssyncpa.u1 $0x0;
	s9 =	simm.s32 $0x100;
	s11 =	smov.u32 s6  }
.LBB2_9:
0xb: {  	p0 =	seq.s32 s10, $0x2  }
.Ltmp1:
0xc: {  	_ = 	snop;
	(pc) =	sbr.rel @p0 .LBB2_11-.Ltmp1, $1  }
0xd: {  	_ =	sdelay $0x3  }
.LBB2_10:
0xe: {  	s12 =	sadd.s32 $0x100, s11  }
0xf: {  	s13 =	smov.u32 s6;
	p0 =	slt.s32 s12, s8  }
0x10: {  	s13 =	smov.u32 @p0 s12  }
0x11: {  	s10 =	sadd.s32 $0x1, s10;
	s12 =	smov.u32 s11;
	s11 =	smov.u32 s13  }
.LBB2_1:
0x12: {  	p0 =	sne.s32 s10, $0x0  }
.Ltmp2:
0x13: {  	_ = 	snop;
	(pc) =	sbr.rel @!p0 .LBB2_2-.Ltmp2, $1  }
0x14: {  	_ =	sdelay $0x3  }
0x15: {  	s13 =	sand.u32 $0x1, s10  }
0x16: {  	p0 =	seq.s32 s13, $0x0  }
.Ltmp3:
0x17: {  	_ = 	snop;
	(pc) =	sbr.rel @p0 .LBB2_9-.Ltmp3, $1  }
0x18: {  	_ =	sdelay $0x3  }
0x19: {  	_ =	swait.ge [sflag:s5], $0x100  }
0x1a: {  	[sflag:s5] =	ssyncset.done $0x0  }
0x1b: {  	s13 =	simm.s32 $0x0;
	[sflag:s5] =	ssyncadd.s32 $0xFFFFFF00  }
0x1c: {  	v0 =	vld.msk [tilespmem:s13+$0x100 ss:$0x1], $0xffff;
	_ =	sdelay $0x4  }
0x1d: {  	v1 =	vshll.u32 v0, $0x3  }
0x1e: {  	vm2 =	veq.s32 v0, $0x80000000;
	v0 =	vshll.u32 v0, $0x12;
	v1 =	vand.u32 $0x3FF80, v1  }
0x1f: {  	v0 =	vand.u32 $0x3C0000, v0;
	v1 =	vsel vm2, $0xFFFFFF80, v1  }
0x20: {  	v0 =	vsel vm2, $0xFFFC0000, v0;
	v2 =	vand.u32 $0xFFFFFC00, v1  }
0x21: {  	v1 =	vand.u32 $0x380, v1;
	v0 =	vadd.s32 v0, v2  }
0x22: {  	v0 =	vor.u32 v1, v0  }
0x23: {  	v0 =	vshrl.u32 v0, $0x3;
	_ =	sdelay $0x3  }
0x24: {  	s13 =	simm.s32 $0x8200  }
0x25: {  	[tilespmem:s13], [sflag:$0x1] =	stream.indirect_vreg.gather [hbm:s3], $0x80, v0, vm0, $0x38;
	[tilespmem:$0x10200] =	vst v63  }
0x26: {  	s14 =	simm.s32 $0x8600;
	s31 =	simm.s32 $0x10  }
0x27: {  	[tilespmem:s14], [sflag:$0x1] =	stream.indirect_vreg.gather [hbm:s3], $0x80, v0, vm1, $0x38;
	[tilespmem:$0x10200] =	vst v63  }
0x28: {  	s14 =	simm.s32 $0x80;
	v0 =	vld.msk [tilespmem:s31+$0x100 ss:$0x1], $0xffff  }
.LBB2_5:
0x29: {  	p0 =	sne.s32 s14, $0x3C0;
	_ =	sdelay $0x4  }
0x2a: {  	v1 =	vshll.u32 v0, $0x3  }
0x2b: {  	vm2 =	veq.s32 v0, $0x80000000;
	v0 =	vshll.u32 v0, $0x12;
	v1 =	vand.u32 $0x3FF80, v1  }
0x2c: {  	v0 =	vand.u32 $0x3C0000, v0;
	v1 =	vsel vm2, $0xFFFFFF80, v1  }
0x2d: {  	v0 =	vsel vm2, $0xFFFC0000, v0;
	v2 =	vand.u32 $0xFFFFFC00, v1  }
0x2e: {  	v1 =	vand.u32 $0x380, v1;
	v0 =	vadd.s32 v0, v2  }
0x2f: {  	v0 =	vor.u32 v1, v0  }
0x30: {  	v0 =	vshrl.u32 v0, $0x3;
	_ =	sdelay $0x3  }
.Ltmp4:
0x31: {  	s13 =	sadd.s32 $0x800, s13;
	(pc) =	sbr.rel @p0 .LBB2_5-.Ltmp4, $4  }
0x32: {  	[tilespmem:s13], [sflag:$0x1] =	stream.indirect_vreg.gather [hbm:s3], $0x80, v0, vm0, $0x38;
	[tilespmem:$0x10200] =	vst v63  }
0x33: {  	s15 =	sshra.s32 s14, $0x2;
	s16 =	sadd.s32 $0x400, s13  }
0x34: {  	[tilespmem:s16], [sflag:$0x1] =	stream.indirect_vreg.gather [hbm:s3], $0x80, v0, vm1, $0x38;
	[tilespmem:$0x10200] =	vst v63  }
0x35: {  	s14 =	sadd.s32 $0x40, s14;
	v0 =	vld.msk [tilespmem:s15+$0x100 ss:$0x1], $0xffff  }
0x36: {  	_ =	sdelay $0x3  }
0x37: {  	v1 =	vshll.u32 v0, $0x3  }
0x38: {  	vm2 =	veq.s32 v0, $0x80000000;
	v63 =	vshll.u32 v0, $0x12;
	v1 =	vand.u32 $0x3FF80, v1  }
0x39: {  	v0 =	vand.u32 $0x3C0000, v63;
	v1 =	vsel vm2, $0xFFFFFF80, v1  }
0x3a: {  	v0 =	vsel vm2, $0xFFFC0000, v0;
	v2 =	vand.u32 $0xFFFFFC00, v1  }
0x3b: {  	v1 =	vand.u32 $0x380, v1;
	v0 =	vadd.s32 v0, v2  }
0x3c: {  	v0 =	vor.u32 v1, v0  }
0x3d: {  	v0 =	vshrl.u32 v0, $0x3;
	_ =	sdelay $0x3  }
0x3e: {  	s13 =	sadd.s32 $0x800, s13  }
0x3f: {  	[tilespmem:s13], [sflag:$0x1] =	stream.indirect_vreg.gather [hbm:s3], $0x80, v0, vm0, $0x38;
	[tilespmem:$0x10200] =	vst v63  }
0x40: {  	s13 =	sadd.s32 $0x400, s13  }
0x41: {  	[tilespmem:s13], [sflag:$0x1] =	stream.indirect_vreg.gather [hbm:s3], $0x80, v0, vm1, $0x38;
	[tilespmem:$0x10200] =	vst v63  }
0x42: {  	s12 =	sshll.u32 s12, $0x4;
	s14 =	simm.s32 $0x80;
	_ =	swait.ge [sflag:s4], $0x8000  }
0x43: {  	s15 =	simm.s32 $0x8600;
	s12 =	sadd.s32 s12, s7;
	[sflag:s4] =	ssyncset.done $0x0  }
0x44: {  	s16 =	sadd.s32 $0x0, s12;
	s13 =	simm.s32 $0x8200;
	[sflag:s4] =	ssyncadd.s32 $0xFFFF8000  }
.LBB2_7:
0x45: {  	[hbm:s16] =	stream.linear.scatter [tilespmem:s13], [sflag:$0x3], $0x400, $0x38;
	[tilespmem:$0x10200] =	vst v63  }
0x46: {  	s16 =	smov.u32 s14;
	s13 =	smov.u32 s15;
	p0 =	sne.s32 s14, $0xF80  }
.Ltmp5:
0x47: {  	s14 =	sadd.s32 $0x80, s14;
	(pc) =	sbr.rel @p0 .LBB2_7-.Ltmp5, $2  }
0x48: {  	_ =	sdelay $0x2  }
0x49: {  	s15 =	sadd.s32 $0x400, s15;
	s16 =	sadd.s32 s16, s12  }
.Ltmp6:
0x4a: {  	(pc) =	sbr.rel .LBB2_9-.Ltmp6, $2  }
0x4b: {  	_ =	sdelay $0x2  }
0x4c: {  	[hbm:s16] =	stream.linear.scatter [tilespmem:s13], [sflag:$0x3], $0x400, $0x38;
	[tilespmem:$0x10200] =	vst v63  }
.LBB2_2:
.Ltmp7:
0x4d: {  	(pc) =	sbr.rel .LBB2_10-.Ltmp7, $4  }
0x4e: {  	_ = 	snop  }
0x4f: {  	s12 =	sshrl.u32 s11, $0x3  }
0x50: {  	s13 =	sand.u32 $0x7, s11;
	s12 =	sadd.s32 s2, s12  }
0x51: {  	[tilespmem:s9], [sflag:$0x2] =	stream.linear.gather [hbm4b:s12+s13], $0x100, $0x38;
	[tilespmem:$0x10200] =	vst v63  }
.LBB2_11:
0x52: {  	s2 =	simm.s32 $0x3  }
0x53: {  	_ =	swait.ge [sflag:s2], $0x8000  }
0x54: {  	[sflag:s2] =	ssyncset.done $0x0  }
0x55: {  	[sflag:s2] =	ssyncadd.s32 $0xFFFF8000  }
0x56: {  	_ =	sfence.sel $0x180000  }
0x57: {  	s3 =	simm.s32 $0x2;
	[bflag:$0x0] =	sbarrier.arrive $0xFFFF  }
0x58: {  	[sflag:s3] =	ssyncpa.u1 $0x1  }
0x59: {  	s31 =	simm.s32 $0x1;
	[sflag:s2] =	ssyncpa.u1 $0x1  }
0x5a: {  	[sflag:s31] =	ssyncpa.u1 $0x1  }
0x5b: {  	p0 =	sne.s32 s1, $0x0;
	_ =	strace $0x9000004A  }
0x5c: {  	s0 =	sadd.s32 @!p0 $0x100000, s0;
	[bflag:$0x2] =	sbarrier.arrive $0xFFFF  }
0x5d: {  	[sflag:s0] =	ssyncadd.tile.s32 @!p0 $0x1;
	_ =	shalt  }
.Lfunc_end2:
_tile_overlayer_lowered:
.L_overlay_start_2:
0x5e: {  	(tag) =	ssettag $0x2  }
0x5f: {  	s0 =	rddreg [dreg:$0x0];
	s2 =	stileid.u32  }
0x60: {  	s1 =	rddreg [dreg:$0x1];
	p0 =	sne.s32 s2, $0x0  }
0x61: {  	s3 =	rddreg [dreg:$0x2];
	[bflag:$0x3] =	sbarrier.arrive $0xFFFF;
	s2 =	simm.s32 @!p0 $0x1C01  }
0x62: {  	[timem:s3], [sflag:s2] =	dma.local @!p0 [hbm:s0], s1  }
0x63: {  	s0 =	simm.s32 @!p0 $0x1  }
0x64: {  	_ =	swait.ge @!p0 [sflag:s0], s1  }
0x65: {  	s1 =	ssub.s32 @!p0 $0x0, s1;
	[sflag:s0] =	ssyncset.done @!p0 $0x0  }
0x66: {  	[sflag:s0] =	ssyncadd.s32 @!p0 s1  }
0x67: {  	[bflag:$0x3] =	sbarrier.arrive $0xFFFF  }
0x68: {  	_ =	shalt  }

</sc_bundles>
